<compile_context>
chip_gen: v7x
topology: tpu7x:2x2x1
jax: 0.10.2.dev20260603
libtpu: 0.0.44.dev20260713+nightly
codegen_flags: <defaults>
</compile_context>

<pallas_src>
import functools

import jax
import jax.numpy as jnp
from jax import lax
from jax.experimental import pallas as pl
from jax.experimental.pallas import tpu as pltpu
from jax.experimental.pallas import tpu_sc as plsc

VOCAB = 1000000
SEQ = 200
DIM = 64
BATCH = 4096
NROWS = BATCH * SEQ
NC, NS, LANES = 2, 16, 16
NW = NC * NS
BPW = NROWS // NW
C = 800
NIT = BPW // C
GC = 80
NG = C // GC


def _emb_body(idx_hbm, tok_hbm, pos_hbm, out_hbm, idx_v, rows_v, pos_v, sem):
    wid = lax.axis_index("s") * NC + lax.axis_index("c")
    base = wid * BPW
    pltpu.sync_copy(pos_hbm, pos_v)

    def chunk_body(i, carry):
        off = base + i * C
        pltpu.sync_copy(idx_hbm.at[pl.ds(off, C)], idx_v)
        copies = [
            pltpu.async_copy(
                tok_hbm.at[idx_v.at[pl.ds(g * GC, GC)]],
                rows_v.at[pl.ds(g * GC, GC)],
                sem,
            )
            for g in range(NG)
        ]
        for cp in copies:
            cp.wait()

        def add_body(r, carry2):
            for rep in range(C // SEQ):
                for j in range(DIM // LANES):
                    sl = pl.ds(j * LANES, LANES)
                    rows_v[rep * SEQ + r, sl] = (
                        rows_v[rep * SEQ + r, sl] + pos_v[r, sl]
                    )
            return carry2

        lax.fori_loop(0, SEQ, add_body, 0, unroll=2)
        pltpu.sync_copy(rows_v, out_hbm.at[pl.ds(off, C)])
        return carry

    lax.fori_loop(0, NIT, chunk_body, 0)


@functools.partial(jax.jit, static_argnames=())
def kernel(inputs, token_table, pos_table):
    idx = inputs.reshape(-1).astype(jnp.int32)
    mesh = plsc.VectorSubcoreMesh(core_axis_name="c", subcore_axis_name="s")
    run = pl.kernel(
        _emb_body,
        out_type=jax.ShapeDtypeStruct((NROWS, DIM), jnp.float32),
        mesh=mesh,
        scratch_types=[
            pltpu.VMEM((C,), jnp.int32),
            pltpu.VMEM((C, DIM), jnp.float32),
            pltpu.VMEM((SEQ, DIM), jnp.float32),
            pltpu.SemaphoreType.DMA,
        ],
        compiler_params=pltpu.CompilerParams(use_tc_tiling_on_sc=False),
    )
    out = run(idx, token_table, pos_table)
    return out.reshape(BATCH, SEQ, DIM)

# --- scband reference (transcript-rebuilt; emitter-appended) ---
"""Pipeline reference for scband-positional-embedding-75771813036237 (READ-ONLY COPY).

The authoritative reference and input builder live on the scoring server;
editing this copy changes nothing except your own understanding.
"""

import jax, jax.numpy as jnp
import numpy as np

VOCAB = 1000000
SEQ_LEN = 200
DIM = 64
BATCH = 4096

def setup_inputs(seed: int = 0) -> dict:
    key = jax.random.key(seed)
    k1, k2, k3 = jax.random.split(key, 3)
    inputs = jax.random.randint(k1, (BATCH, SEQ_LEN), 0, VOCAB, dtype=jnp.int64 if jax.config.jax_enable_x64 else jnp.int32)
    token_table = jax.random.normal(k2, (VOCAB, DIM), dtype=jnp.float32) * 0.05
    pos_table = jax.random.normal(k3, (SEQ_LEN, DIM), dtype=jnp.float32) * 0.05
    return {"inputs": inputs, "token_table": token_table, "pos_table": pos_table}

def reference(inputs, token_table, pos_table):
    length = inputs.shape[-1]
    positions = jnp.arange(length)
    embedded_positions = jnp.take(pos_table, positions, axis=0)
    embedded_tokens = jnp.take(token_table, inputs, axis=0)
    return embedded_tokens + embedded_positions[None, :, :]

if __name__ == "__main__":
    import jax
    _d = setup_inputs()
    print(jax.jit(kernel)(*tuple(_d.values())))

</pallas_src>

<mosaic_0001>
#map = affine_map<(d0, d1) -> (0)>
#map1 = affine_map<(d0, d1) -> (0, 0)>
module attributes {stable_mosaic.version = 14 : i64} {
  func.func @_emb_body(%arg0: i32, %arg1: i32, %arg2: memref<819200xi32, #tpu.memory_space<hbm>>, %arg3: memref<1000000x64xf32, #tpu.memory_space<hbm>>, %arg4: memref<200x64xf32, #tpu.memory_space<hbm>>, %arg5: memref<819200x64xf32, #tpu.memory_space<hbm>>, %arg6: memref<800xi32, #tpu.memory_space<vmem>>, %arg7: memref<800x64xf32, #tpu.memory_space<vmem>>, %arg8: memref<200x64xf32, #tpu.memory_space<vmem>>, %arg9: memref<!tpu.dma_semaphore, #tpu.memory_space<semaphore_mem>>) attributes {dimension_semantics = [#tpu.dimension_semantics<core_parallel>, #tpu.dimension_semantics<subcore_parallel>], iteration_bounds = array<i64: 2, 16>, scalar_prefetch = 0 : i64, scratch_operands = 4 : i64, tpu.core_type = #tpu.core_type<sc_vector_subcore>, window_params = [{transform_indices = #map}, {transform_indices = #map1}, {transform_indices = #map1}, {transform_indices = #map1}]} {
    %mul3A = arith.constant 2 : i32
    %mul3A_0 = arith.muli %arg1, %mul3A : i32
    %add3A = arith.addi %mul3A_0, %arg0 : i32
    %mul3A_1 = arith.constant 25600 : i32
    %mul3A_2 = arith.muli %add3A, %mul3A_1 : i32
    "tpu.region"() ({
      %run_scoped3A = tpu.sem_alloc : memref<!tpu.dma_semaphore, #tpu.memory_space<semaphore_mem>>
      tpu.enqueue_dma source(%arg4 : memref<200x64xf32, #tpu.memory_space<hbm>>) target(%arg8 : memref<200x64xf32, #tpu.memory_space<vmem>>) target_semaphore(%run_scoped3A : memref<!tpu.dma_semaphore, #tpu.memory_space<semaphore_mem>>)
      tpu.wait_dma2 semaphore(%run_scoped3A : memref<!tpu.dma_semaphore, #tpu.memory_space<semaphore_mem>>) src(%arg4 : memref<200x64xf32, #tpu.memory_space<hbm>>) dst(%arg8 : memref<200x64xf32, #tpu.memory_space<vmem>>)
      tpu.yield
    }) : () -> ()
    %scan3A = arith.constant 0 : i32
    %scan3A_3 = arith.constant 0 : i32
    %scan3A_4 = arith.constant 32 : i32
    %scan3A_5 = arith.addi %scan3A_3, %scan3A_4 : i32
    %scan3A_6 = arith.constant 1 : i32
    scf.for %scan3A_8 = %scan3A_3 to %scan3A_5 step %scan3A_6  : i32 {
      %mul3A_9 = arith.constant 800 : i32
      %mul3A_10 = arith.muli %scan3A_8, %mul3A_9 : i32
      %add3A_11 = arith.addi %mul3A_2, %mul3A_10 : i32
      "tpu.region"() ({
        %run_scoped3A = tpu.sem_alloc : memref<!tpu.dma_semaphore, #tpu.memory_space<semaphore_mem>>
        %dma_start3A_176 = tpu.memref_slice %arg2[%add3A_11] : memref<819200xi32, #tpu.memory_space<hbm>> -> memref<800xi32, #tpu.memory_space<hbm>>
        %dma_start3A_177 = tpu.memref_slice %arg2[%add3A_11] : memref<819200xi32, #tpu.memory_space<hbm>> -> memref<800xi32, #tpu.memory_space<hbm>>
        tpu.enqueue_dma source(%dma_start3A_177 : memref<800xi32, #tpu.memory_space<hbm>>) target(%arg6 : memref<800xi32, #tpu.memory_space<vmem>>) target_semaphore(%run_scoped3A : memref<!tpu.dma_semaphore, #tpu.memory_space<semaphore_mem>>)
        %dma_wait3A_178 = tpu.memref_slice %arg2[%add3A_11] : memref<819200xi32, #tpu.memory_space<hbm>> -> memref<800xi32, #tpu.memory_space<hbm>>
        %dma_wait3A_179 = tpu.memref_slice %arg2[%add3A_11] : memref<819200xi32, #tpu.memory_space<hbm>> -> memref<800xi32, #tpu.memory_space<hbm>>
        tpu.wait_dma2 semaphore(%run_scoped3A : memref<!tpu.dma_semaphore, #tpu.memory_space<semaphore_mem>>) src(%dma_wait3A_179 : memref<800xi32, #tpu.memory_space<hbm>>) dst(%arg6 : memref<800xi32, #tpu.memory_space<vmem>>)
        tpu.yield
      }) : () -> ()
      %dma_start3A = arith.constant 0 : i32
      %dma_start3A_12 = arith.constant 0 : i32
      %dma_start3A_13 = tpu.memref_slice %arg7[%dma_start3A, %dma_start3A_12] : memref<800x64xf32, #tpu.memory_space<vmem>> -> memref<80x64xf32, #tpu.memory_space<vmem>>
      %dma_start3A_14 = arith.constant 0 : i32
      %dma_start3A_15 = tpu.memref_slice %arg6[%dma_start3A_14] : memref<800xi32, #tpu.memory_space<vmem>> -> memref<80xi32, #tpu.memory_space<vmem>>
      %dma_start3A_16 = arith.constant 0 : i32
      %dma_start3A_17 = arith.constant 0 : i32
      %dma_start3A_18 = tpu.memref_slice %arg3[%dma_start3A_16, %dma_start3A_17] : memref<1000000x64xf32, #tpu.memory_space<hbm>> -> memref<1000000x64xf32, #tpu.memory_space<hbm>>
      tpu.enqueue_indirect_dma source(%dma_start3A_18 : memref<1000000x64xf32, #tpu.memory_space<hbm>>) target(%dma_start3A_13 : memref<80x64xf32, #tpu.memory_space<vmem>>) offsets(%dma_start3A_15 : memref<80xi32, #tpu.memory_space<vmem>>) semaphore(%arg9 : memref<!tpu.dma_semaphore, #tpu.memory_space<semaphore_mem>>)
      %dma_start3A_19 = arith.constant 80 : i32
      %dma_start3A_20 = arith.constant 0 : i32
      %dma_start3A_21 = tpu.memref_slice %arg7[%dma_start3A_19, %dma_start3A_20] : memref<800x64xf32, #tpu.memory_space<vmem>> -> memref<80x64xf32, #tpu.memory_space<vmem>>
      %dma_start3A_22 = arith.constant 80 : i32
      %dma_start3A_23 = tpu.memref_slice %arg6[%dma_start3A_22] : memref<800xi32, #tpu.memory_space<vmem>> -> memref<80xi32, #tpu.memory_space<vmem>>
      %dma_start3A_24 = arith.constant 0 : i32
      %dma_start3A_25 = arith.constant 0 : i32
      %dma_start3A_26 = tpu.memref_slice %arg3[%dma_start3A_24, %dma_start3A_25] : memref<1000000x64xf32, #tpu.memory_space<hbm>> -> memref<1000000x64xf32, #tpu.memory_space<hbm>>
      tpu.enqueue_indirect_dma source(%dma_start3A_26 : memref<1000000x64xf32, #tpu.memory_space<hbm>>) target(%dma_start3A_21 : memref<80x64xf32, #tpu.memory_space<vmem>>) offsets(%dma_start3A_23 : memref<80xi32, #tpu.memory_space<vmem>>) semaphore(%arg9 : memref<!tpu.dma_semaphore, #tpu.memory_space<semaphore_mem>>)
      %dma_start3A_27 = arith.constant 160 : i32
      %dma_start3A_28 = arith.constant 0 : i32
      %dma_start3A_29 = tpu.memref_slice %arg7[%dma_start3A_27, %dma_start3A_28] : memref<800x64xf32, #tpu.memory_space<vmem>> -> memref<80x64xf32, #tpu.memory_space<vmem>>
      %dma_start3A_30 = arith.constant 160 : i32
      %dma_start3A_31 = tpu.memref_slice %arg6[%dma_start3A_30] : memref<800xi32, #tpu.memory_space<vmem>> -> memref<80xi32, #tpu.memory_space<vmem>>
      %dma_start3A_32 = arith.constant 0 : i32
      %dma_start3A_33 = arith.constant 0 : i32
      %dma_start3A_34 = tpu.memref_slice %arg3[%dma_start3A_32, %dma_start3A_33] : memref<1000000x64xf32, #tpu.memory_space<hbm>> -> memref<1000000x64xf32, #tpu.memory_space<hbm>>
      tpu.enqueue_indirect_dma source(%dma_start3A_34 : memref<1000000x64xf32, #tpu.memory_space<hbm>>) target(%dma_start3A_29 : memref<80x64xf32, #tpu.memory_space<vmem>>) offsets(%dma_start3A_31 : memref<80xi32, #tpu.memory_space<vmem>>) semaphore(%arg9 : memref<!tpu.dma_semaphore, #tpu.memory_space<semaphore_mem>>)
      %dma_start3A_35 = arith.constant 240 : i32
      %dma_start3A_36 = arith.constant 0 : i32
      %dma_start3A_37 = tpu.memref_slice %arg7[%dma_start3A_35, %dma_start3A_36] : memref<800x64xf32, #tpu.memory_space<vmem>> -> memref<80x64xf32, #tpu.memory_space<vmem>>
      %dma_start3A_38 = arith.constant 240 : i32
      %dma_start3A_39 = tpu.memref_slice %arg6[%dma_start3A_38] : memref<800xi32, #tpu.memory_space<vmem>> -> memref<80xi32, #tpu.memory_space<vmem>>
      %dma_start3A_40 = arith.constant 0 : i32
      %dma_start3A_41 = arith.constant 0 : i32
      %dma_start3A_42 = tpu.memref_slice %arg3[%dma_start3A_40, %dma_start3A_41] : memref<1000000x64xf32, #tpu.memory_space<hbm>> -> memref<1000000x64xf32, #tpu.memory_space<hbm>>
      tpu.enqueue_indirect_dma source(%dma_start3A_42 : memref<1000000x64xf32, #tpu.memory_space<hbm>>) target(%dma_start3A_37 : memref<80x64xf32, #tpu.memory_space<vmem>>) offsets(%dma_start3A_39 : memref<80xi32, #tpu.memory_space<vmem>>) semaphore(%arg9 : memref<!tpu.dma_semaphore, #tpu.memory_space<semaphore_mem>>)
      %dma_start3A_43 = arith.constant 320 : i32
      %dma_start3A_44 = arith.constant 0 : i32
      %dma_start3A_45 = tpu.memref_slice %arg7[%dma_start3A_43, %dma_start3A_44] : memref<800x64xf32, #tpu.memory_space<vmem>> -> memref<80x64xf32, #tpu.memory_space<vmem>>
      %dma_start3A_46 = arith.constant 320 : i32
      %dma_start3A_47 = tpu.memref_slice %arg6[%dma_start3A_46] : memref<800xi32, #tpu.memory_space<vmem>> -> memref<80xi32, #tpu.memory_space<vmem>>
      %dma_start3A_48 = arith.constant 0 : i32
      %dma_start3A_49 = arith.constant 0 : i32
      %dma_start3A_50 = tpu.memref_slice %arg3[%dma_start3A_48, %dma_start3A_49] : memref<1000000x64xf32, #tpu.memory_space<hbm>> -> memref<1000000x64xf32, #tpu.memory_space<hbm>>
      tpu.enqueue_indirect_dma source(%dma_start3A_50 : memref<1000000x64xf32, #tpu.memory_space<hbm>>) target(%dma_start3A_45 : memref<80x64xf32, #tpu.memory_space<vmem>>) offsets(%dma_start3A_47 : memref<80xi32, #tpu.memory_space<vmem>>) semaphore(%arg9 : memref<!tpu.dma_semaphore, #tpu.memory_space<semaphore_mem>>)
      %dma_start3A_51 = arith.constant 400 : i32
      %dma_start3A_52 = arith.constant 0 : i32
      %dma_start3A_53 = tpu.memref_slice %arg7[%dma_start3A_51, %dma_start3A_52] : memref<800x64xf32, #tpu.memory_space<vmem>> -> memref<80x64xf32, #tpu.memory_space<vmem>>
      %dma_start3A_54 = arith.constant 400 : i32
      %dma_start3A_55 = tpu.memref_slice %arg6[%dma_start3A_54] : memref<800xi32, #tpu.memory_space<vmem>> -> memref<80xi32, #tpu.memory_space<vmem>>
      %dma_start3A_56 = arith.constant 0 : i32
      %dma_start3A_57 = arith.constant 0 : i32
      %dma_start3A_58 = tpu.memref_slice %arg3[%dma_start3A_56, %dma_start3A_57] : memref<1000000x64xf32, #tpu.memory_space<hbm>> -> memref<1000000x64xf32, #tpu.memory_space<hbm>>
      tpu.enqueue_indirect_dma source(%dma_start3A_58 : memref<1000000x64xf32, #tpu.memory_space<hbm>>) target(%dma_start3A_53 : memref<80x64xf32, #tpu.memory_space<vmem>>) offsets(%dma_start3A_55 : memref<80xi32, #tpu.memory_space<vmem>>) semaphore(%arg9 : memref<!tpu.dma_semaphore, #tpu.memory_space<semaphore_mem>>)
      %dma_start3A_59 = arith.constant 480 : i32
      %dma_start3A_60 = arith.constant 0 : i32
      %dma_start3A_61 = tpu.memref_slice %arg7[%dma_start3A_59, %dma_start3A_60] : memref<800x64xf32, #tpu.memory_space<vmem>> -> memref<80x64xf32, #tpu.memory_space<vmem>>
      %dma_start3A_62 = arith.constant 480 : i32
      %dma_start3A_63 = tpu.memref_slice %arg6[%dma_start3A_62] : memref<800xi32, #tpu.memory_space<vmem>> -> memref<80xi32, #tpu.memory_space<vmem>>
      %dma_start3A_64 = arith.constant 0 : i32
      %dma_start3A_65 = arith.constant 0 : i32
      %dma_start3A_66 = tpu.memref_slice %arg3[%dma_start3A_64, %dma_start3A_65] : memref<1000000x64xf32, #tpu.memory_space<hbm>> -> memref<1000000x64xf32, #tpu.memory_space<hbm>>
      tpu.enqueue_indirect_dma source(%dma_start3A_66 : memref<1000000x64xf32, #tpu.memory_space<hbm>>) target(%dma_start3A_61 : memref<80x64xf32, #tpu.memory_space<vmem>>) offsets(%dma_start3A_63 : memref<80xi32, #tpu.memory_space<vmem>>) semaphore(%arg9 : memref<!tpu.dma_semaphore, #tpu.memory_space<semaphore_mem>>)
      %dma_start3A_67 = arith.constant 560 : i32
      %dma_start3A_68 = arith.constant 0 : i32
      %dma_start3A_69 = tpu.memref_slice %arg7[%dma_start3A_67, %dma_start3A_68] : memref<800x64xf32, #tpu.memory_space<vmem>> -> memref<80x64xf32, #tpu.memory_space<vmem>>
      %dma_start3A_70 = arith.constant 560 : i32
      %dma_start3A_71 = tpu.memref_slice %arg6[%dma_start3A_70] : memref<800xi32, #tpu.memory_space<vmem>> -> memref<80xi32, #tpu.memory_space<vmem>>
      %dma_start3A_72 = arith.constant 0 : i32
      %dma_start3A_73 = arith.constant 0 : i32
      %dma_start3A_74 = tpu.memref_slice %arg3[%dma_start3A_72, %dma_start3A_73] : memref<1000000x64xf32, #tpu.memory_space<hbm>> -> memref<1000000x64xf32, #tpu.memory_space<hbm>>
      tpu.enqueue_indirect_dma source(%dma_start3A_74 : memref<1000000x64xf32, #tpu.memory_space<hbm>>) target(%dma_start3A_69 : memref<80x64xf32, #tpu.memory_space<vmem>>) offsets(%dma_start3A_71 : memref<80xi32, #tpu.memory_space<vmem>>) semaphore(%arg9 : memref<!tpu.dma_semaphore, #tpu.memory_space<semaphore_mem>>)
      %dma_start3A_75 = arith.constant 640 : i32
      %dma_start3A_76 = arith.constant 0 : i32
      %dma_start3A_77 = tpu.memref_slice %arg7[%dma_start3A_75, %dma_start3A_76] : memref<800x64xf32, #tpu.memory_space<vmem>> -> memref<80x64xf32, #tpu.memory_space<vmem>>
      %dma_start3A_78 = arith.constant 640 : i32
      %dma_start3A_79 = tpu.memref_slice %arg6[%dma_start3A_78] : memref<800xi32, #tpu.memory_space<vmem>> -> memref<80xi32, #tpu.memory_space<vmem>>
      %dma_start3A_80 = arith.constant 0 : i32
      %dma_start3A_81 = arith.constant 0 : i32
      %dma_start3A_82 = tpu.memref_slice %arg3[%dma_start3A_80, %dma_start3A_81] : memref<1000000x64xf32, #tpu.memory_space<hbm>> -> memref<1000000x64xf32, #tpu.memory_space<hbm>>
      tpu.enqueue_indirect_dma source(%dma_start3A_82 : memref<1000000x64xf32, #tpu.memory_space<hbm>>) target(%dma_start3A_77 : memref<80x64xf32, #tpu.memory_space<vmem>>) offsets(%dma_start3A_79 : memref<80xi32, #tpu.memory_space<vmem>>) semaphore(%arg9 : memref<!tpu.dma_semaphore, #tpu.memory_space<semaphore_mem>>)
      %dma_start3A_83 = arith.constant 720 : i32
      %dma_start3A_84 = arith.constant 0 : i32
      %dma_start3A_85 = tpu.memref_slice %arg7[%dma_start3A_83, %dma_start3A_84] : memref<800x64xf32, #tpu.memory_space<vmem>> -> memref<80x64xf32, #tpu.memory_space<vmem>>
      %dma_start3A_86 = arith.constant 720 : i32
      %dma_start3A_87 = tpu.memref_slice %arg6[%dma_start3A_86] : memref<800xi32, #tpu.memory_space<vmem>> -> memref<80xi32, #tpu.memory_space<vmem>>
      %dma_start3A_88 = arith.constant 0 : i32
      %dma_start3A_89 = arith.constant 0 : i32
      %dma_start3A_90 = tpu.memref_slice %arg3[%dma_start3A_88, %dma_start3A_89] : memref<1000000x64xf32, #tpu.memory_space<hbm>> -> memref<1000000x64xf32, #tpu.memory_space<hbm>>
      tpu.enqueue_indirect_dma source(%dma_start3A_90 : memref<1000000x64xf32, #tpu.memory_space<hbm>>) target(%dma_start3A_85 : memref<80x64xf32, #tpu.memory_space<vmem>>) offsets(%dma_start3A_87 : memref<80xi32, #tpu.memory_space<vmem>>) semaphore(%arg9 : memref<!tpu.dma_semaphore, #tpu.memory_space<semaphore_mem>>)
      %dma_wait3A = arith.constant 0 : i32
      %dma_wait3A_91 = arith.constant 0 : i32
      %dma_wait3A_92 = tpu.memref_slice %arg7[%dma_wait3A, %dma_wait3A_91] : memref<800x64xf32, #tpu.memory_space<vmem>> -> memref<80x64xf32, #tpu.memory_space<vmem>>
      %dma_wait3A_93 = arith.constant 0 : i32
      %dma_wait3A_94 = tpu.memref_slice %arg6[%dma_wait3A_93] : memref<800xi32, #tpu.memory_space<vmem>> -> memref<80xi32, #tpu.memory_space<vmem>>
      %dma_wait3A_95 = arith.constant 0 : i32
      %dma_wait3A_96 = arith.constant 0 : i32
      %dma_wait3A_97 = tpu.memref_slice %arg3[%dma_wait3A_95, %dma_wait3A_96] : memref<1000000x64xf32, #tpu.memory_space<hbm>> -> memref<1000000x64xf32, #tpu.memory_space<hbm>>
      tpu.wait_indirect_dma semaphore(%arg9 : memref<!tpu.dma_semaphore, #tpu.memory_space<semaphore_mem>>) src(%dma_wait3A_97 : memref<1000000x64xf32, #tpu.memory_space<hbm>>) dst(%dma_wait3A_92 : memref<80x64xf32, #tpu.memory_space<vmem>>)
      %dma_wait3A_98 = arith.constant 80 : i32
      %dma_wait3A_99 = arith.constant 0 : i32
      %dma_wait3A_100 = tpu.memref_slice %arg7[%dma_wait3A_98, %dma_wait3A_99] : memref<800x64xf32, #tpu.memory_space<vmem>> -> memref<80x64xf32, #tpu.memory_space<vmem>>
      %dma_wait3A_101 = arith.constant 80 : i32
      %dma_wait3A_102 = tpu.memref_slice %arg6[%dma_wait3A_101] : memref<800xi32, #tpu.memory_space<vmem>> -> memref<80xi32, #tpu.memory_space<vmem>>
      %dma_wait3A_103 = arith.constant 0 : i32
      %dma_wait3A_104 = arith.constant 0 : i32
      %dma_wait3A_105 = tpu.memref_slice %arg3[%dma_wait3A_103, %dma_wait3A_104] : memref<1000000x64xf32, #tpu.memory_space<hbm>> -> memref<1000000x64xf32, #tpu.memory_space<hbm>>
      tpu.wait_indirect_dma semaphore(%arg9 : memref<!tpu.dma_semaphore, #tpu.memory_space<semaphore_mem>>) src(%dma_wait3A_105 : memref<1000000x64xf32, #tpu.memory_space<hbm>>) dst(%dma_wait3A_100 : memref<80x64xf32, #tpu.memory_space<vmem>>)
      %dma_wait3A_106 = arith.constant 160 : i32
      %dma_wait3A_107 = arith.constant 0 : i32
      %dma_wait3A_108 = tpu.memref_slice %arg7[%dma_wait3A_106, %dma_wait3A_107] : memref<800x64xf32, #tpu.memory_space<vmem>> -> memref<80x64xf32, #tpu.memory_space<vmem>>
      %dma_wait3A_109 = arith.constant 160 : i32
      %dma_wait3A_110 = tpu.memref_slice %arg6[%dma_wait3A_109] : memref<800xi32, #tpu.memory_space<vmem>> -> memref<80xi32, #tpu.memory_space<vmem>>
      %dma_wait3A_111 = arith.constant 0 : i32
      %dma_wait3A_112 = arith.constant 0 : i32
      %dma_wait3A_113 = tpu.memref_slice %arg3[%dma_wait3A_111, %dma_wait3A_112] : memref<1000000x64xf32, #tpu.memory_space<hbm>> -> memref<1000000x64xf32, #tpu.memory_space<hbm>>
      tpu.wait_indirect_dma semaphore(%arg9 : memref<!tpu.dma_semaphore, #tpu.memory_space<semaphore_mem>>) src(%dma_wait3A_113 : memref<1000000x64xf32, #tpu.memory_space<hbm>>) dst(%dma_wait3A_108 : memref<80x64xf32, #tpu.memory_space<vmem>>)
      %dma_wait3A_114 = arith.constant 240 : i32
      %dma_wait3A_115 = arith.constant 0 : i32
      %dma_wait3A_116 = tpu.memref_slice %arg7[%dma_wait3A_114, %dma_wait3A_115] : memref<800x64xf32, #tpu.memory_space<vmem>> -> memref<80x64xf32, #tpu.memory_space<vmem>>
      %dma_wait3A_117 = arith.constant 240 : i32
      %dma_wait3A_118 = tpu.memref_slice %arg6[%dma_wait3A_117] : memref<800xi32, #tpu.memory_space<vmem>> -> memref<80xi32, #tpu.memory_space<vmem>>
      %dma_wait3A_119 = arith.constant 0 : i32
      %dma_wait3A_120 = arith.constant 0 : i32
      %dma_wait3A_121 = tpu.memref_slice %arg3[%dma_wait3A_119, %dma_wait3A_120] : memref<1000000x64xf32, #tpu.memory_space<hbm>> -> memref<1000000x64xf32, #tpu.memory_space<hbm>>
      tpu.wait_indirect_dma semaphore(%arg9 : memref<!tpu.dma_semaphore, #tpu.memory_space<semaphore_mem>>) src(%dma_wait3A_121 : memref<1000000x64xf32, #tpu.memory_space<hbm>>) dst(%dma_wait3A_116 : memref<80x64xf32, #tpu.memory_space<vmem>>)
      %dma_wait3A_122 = arith.constant 320 : i32
      %dma_wait3A_123 = arith.constant 0 : i32
      %dma_wait3A_124 = tpu.memref_slice %arg7[%dma_wait3A_122, %dma_wait3A_123] : memref<800x64xf32, #tpu.memory_space<vmem>> -> memref<80x64xf32, #tpu.memory_space<vmem>>
      %dma_wait3A_125 = arith.constant 320 : i32
      %dma_wait3A_126 = tpu.memref_slice %arg6[%dma_wait3A_125] : memref<800xi32, #tpu.memory_space<vmem>> -> memref<80xi32, #tpu.memory_space<vmem>>
      %dma_wait3A_127 = arith.constant 0 : i32
      %dma_wait3A_128 = arith.constant 0 : i32
      %dma_wait3A_129 = tpu.memref_slice %arg3[%dma_wait3A_127, %dma_wait3A_128] : memref<1000000x64xf32, #tpu.memory_space<hbm>> -> memref<1000000x64xf32, #tpu.memory_space<hbm>>
      tpu.wait_indirect_dma semaphore(%arg9 : memref<!tpu.dma_semaphore, #tpu.memory_space<semaphore_mem>>) src(%dma_wait3A_129 : memref<1000000x64xf32, #tpu.memory_space<hbm>>) dst(%dma_wait3A_124 : memref<80x64xf32, #tpu.memory_space<vmem>>)
      %dma_wait3A_130 = arith.constant 400 : i32
      %dma_wait3A_131 = arith.constant 0 : i32
      %dma_wait3A_132 = tpu.memref_slice %arg7[%dma_wait3A_130, %dma_wait3A_131] : memref<800x64xf32, #tpu.memory_space<vmem>> -> memref<80x64xf32, #tpu.memory_space<vmem>>
      %dma_wait3A_133 = arith.constant 400 : i32
      %dma_wait3A_134 = tpu.memref_slice %arg6[%dma_wait3A_133] : memref<800xi32, #tpu.memory_space<vmem>> -> memref<80xi32, #tpu.memory_space<vmem>>
      %dma_wait3A_135 = arith.constant 0 : i32
      %dma_wait3A_136 = arith.constant 0 : i32
      %dma_wait3A_137 = tpu.memref_slice %arg3[%dma_wait3A_135, %dma_wait3A_136] : memref<1000000x64xf32, #tpu.memory_space<hbm>> -> memref<1000000x64xf32, #tpu.memory_space<hbm>>
      tpu.wait_indirect_dma semaphore(%arg9 : memref<!tpu.dma_semaphore, #tpu.memory_space<semaphore_mem>>) src(%dma_wait3A_137 : memref<1000000x64xf32, #tpu.memory_space<hbm>>) dst(%dma_wait3A_132 : memref<80x64xf32, #tpu.memory_space<vmem>>)
      %dma_wait3A_138 = arith.constant 480 : i32
      %dma_wait3A_139 = arith.constant 0 : i32
      %dma_wait3A_140 = tpu.memref_slice %arg7[%dma_wait3A_138, %dma_wait3A_139] : memref<800x64xf32, #tpu.memory_space<vmem>> -> memref<80x64xf32, #tpu.memory_space<vmem>>
      %dma_wait3A_141 = arith.constant 480 : i32
      %dma_wait3A_142 = tpu.memref_slice %arg6[%dma_wait3A_141] : memref<800xi32, #tpu.memory_space<vmem>> -> memref<80xi32, #tpu.memory_space<vmem>>
      %dma_wait3A_143 = arith.constant 0 : i32
      %dma_wait3A_144 = arith.constant 0 : i32
      %dma_wait3A_145 = tpu.memref_slice %arg3[%dma_wait3A_143, %dma_wait3A_144] : memref<1000000x64xf32, #tpu.memory_space<hbm>> -> memref<1000000x64xf32, #tpu.memory_space<hbm>>
      tpu.wait_indirect_dma semaphore(%arg9 : memref<!tpu.dma_semaphore, #tpu.memory_space<semaphore_mem>>) src(%dma_wait3A_145 : memref<1000000x64xf32, #tpu.memory_space<hbm>>) dst(%dma_wait3A_140 : memref<80x64xf32, #tpu.memory_space<vmem>>)
      %dma_wait3A_146 = arith.constant 560 : i32
      %dma_wait3A_147 = arith.constant 0 : i32
      %dma_wait3A_148 = tpu.memref_slice %arg7[%dma_wait3A_146, %dma_wait3A_147] : memref<800x64xf32, #tpu.memory_space<vmem>> -> memref<80x64xf32, #tpu.memory_space<vmem>>
      %dma_wait3A_149 = arith.constant 560 : i32
      %dma_wait3A_150 = tpu.memref_slice %arg6[%dma_wait3A_149] : memref<800xi32, #tpu.memory_space<vmem>> -> memref<80xi32, #tpu.memory_space<vmem>>
      %dma_wait3A_151 = arith.constant 0 : i32
      %dma_wait3A_152 = arith.constant 0 : i32
      %dma_wait3A_153 = tpu.memref_slice %arg3[%dma_wait3A_151, %dma_wait3A_152] : memref<1000000x64xf32, #tpu.memory_space<hbm>> -> memref<1000000x64xf32, #tpu.memory_space<hbm>>
      tpu.wait_indirect_dma semaphore(%arg9 : memref<!tpu.dma_semaphore, #tpu.memory_space<semaphore_mem>>) src(%dma_wait3A_153 : memref<1000000x64xf32, #tpu.memory_space<hbm>>) dst(%dma_wait3A_148 : memref<80x64xf32, #tpu.memory_space<vmem>>)
      %dma_wait3A_154 = arith.constant 640 : i32
      %dma_wait3A_155 = arith.constant 0 : i32
      %dma_wait3A_156 = tpu.memref_slice %arg7[%dma_wait3A_154, %dma_wait3A_155] : memref<800x64xf32, #tpu.memory_space<vmem>> -> memref<80x64xf32, #tpu.memory_space<vmem>>
      %dma_wait3A_157 = arith.constant 640 : i32
      %dma_wait3A_158 = tpu.memref_slice %arg6[%dma_wait3A_157] : memref<800xi32, #tpu.memory_space<vmem>> -> memref<80xi32, #tpu.memory_space<vmem>>
      %dma_wait3A_159 = arith.constant 0 : i32
      %dma_wait3A_160 = arith.constant 0 : i32
      %dma_wait3A_161 = tpu.memref_slice %arg3[%dma_wait3A_159, %dma_wait3A_160] : memref<1000000x64xf32, #tpu.memory_space<hbm>> -> memref<1000000x64xf32, #tpu.memory_space<hbm>>
      tpu.wait_indirect_dma semaphore(%arg9 : memref<!tpu.dma_semaphore, #tpu.memory_space<semaphore_mem>>) src(%dma_wait3A_161 : memref<1000000x64xf32, #tpu.memory_space<hbm>>) dst(%dma_wait3A_156 : memref<80x64xf32, #tpu.memory_space<vmem>>)
      %dma_wait3A_162 = arith.constant 720 : i32
      %dma_wait3A_163 = arith.constant 0 : i32
      %dma_wait3A_164 = tpu.memref_slice %arg7[%dma_wait3A_162, %dma_wait3A_163] : memref<800x64xf32, #tpu.memory_space<vmem>> -> memref<80x64xf32, #tpu.memory_space<vmem>>
      %dma_wait3A_165 = arith.constant 720 : i32
      %dma_wait3A_166 = tpu.memref_slice %arg6[%dma_wait3A_165] : memref<800xi32, #tpu.memory_space<vmem>> -> memref<80xi32, #tpu.memory_space<vmem>>
      %dma_wait3A_167 = arith.constant 0 : i32
      %dma_wait3A_168 = arith.constant 0 : i32
      %dma_wait3A_169 = tpu.memref_slice %arg3[%dma_wait3A_167, %dma_wait3A_168] : memref<1000000x64xf32, #tpu.memory_space<hbm>> -> memref<1000000x64xf32, #tpu.memory_space<hbm>>
      tpu.wait_indirect_dma semaphore(%arg9 : memref<!tpu.dma_semaphore, #tpu.memory_space<semaphore_mem>>) src(%dma_wait3A_169 : memref<1000000x64xf32, #tpu.memory_space<hbm>>) dst(%dma_wait3A_164 : memref<80x64xf32, #tpu.memory_space<vmem>>)
      %scan3A_170 = arith.constant 0 : i32
      %scan3A_171 = arith.constant 0 : i32
      %scan3A_172 = arith.constant 200 : i32
      %scan3A_173 = arith.addi %scan3A_171, %scan3A_172 : i32
      %scan3A_174 = arith.constant 2 : i32
      scf.for %scan3A_176 = %scan3A_171 to %scan3A_173 step %scan3A_174  : i32 {
        %add3A_177 = arith.constant 0 : i32
        %add3A_178 = arith.addi %add3A_177, %scan3A_176 : i32
        %get3A = arith.index_cast %add3A_178 : i32 to index
        %get3A_179 = arith.constant 0 : index
        %get3A_180 = tpu.vector_load %arg7[%get3A, %get3A_179] {strides = array<i32>} : memref<800x64xf32, #tpu.memory_space<vmem>>, vector<1x16xf32>,
        %get3A_181 = vector.shape_cast %get3A_180 : vector<1x16xf32> to vector<16xf32>
        %get3A_182 = arith.index_cast %scan3A_176 : i32 to index
        %get3A_183 = arith.constant 0 : index
        %get3A_184 = tpu.vector_load %arg8[%get3A_182, %get3A_183] {strides = array<i32>} : memref<200x64xf32, #tpu.memory_space<vmem>>, vector<1x16xf32>,
        %get3A_185 = vector.shape_cast %get3A_184 : vector<1x16xf32> to vector<16xf32>
        %add3A_186 = arith.addf %get3A_181, %get3A_185 : vector<16xf32>
        %add3A_187 = arith.constant 0 : i32
        %add3A_188 = arith.addi %add3A_187, %scan3A_176 : i32
        %swap3A = arith.index_cast %add3A_188 : i32 to index
        %swap3A_189 = arith.constant 0 : index
        %swap3A_190 = tpu.vector_load %arg7[%swap3A, %swap3A_189] {strides = array<i32>} : memref<800x64xf32, #tpu.memory_space<vmem>>, vector<1x16xf32>,
        %swap3A_191 = vector.shape_cast %swap3A_190 : vector<1x16xf32> to vector<16xf32>
        %swap3A_192 = vector.shape_cast %add3A_186 : vector<16xf32> to vector<1x16xf32>
        tpu.vector_store %arg7[%swap3A, %swap3A_189], %swap3A_192 {strides = array<i32>} : memref<800x64xf32, #tpu.memory_space<vmem>>, vector<1x16xf32>,
        %add3A_193 = arith.constant 0 : i32
        %add3A_194 = arith.addi %add3A_193, %scan3A_176 : i32
        %get3A_195 = arith.index_cast %add3A_194 : i32 to index
        %get3A_196 = arith.constant 16 : index
        %get3A_197 = tpu.vector_load %arg7[%get3A_195, %get3A_196] {strides = array<i32>} : memref<800x64xf32, #tpu.memory_space<vmem>>, vector<1x16xf32>,
        %get3A_198 = vector.shape_cast %get3A_197 : vector<1x16xf32> to vector<16xf32>
        %get3A_199 = arith.index_cast %scan3A_176 : i32 to index
        %get3A_200 = arith.constant 16 : index
        %get3A_201 = tpu.vector_load %arg8[%get3A_199, %get3A_200] {strides = array<i32>} : memref<200x64xf32, #tpu.memory_space<vmem>>, vector<1x16xf32>,
        %get3A_202 = vector.shape_cast %get3A_201 : vector<1x16xf32> to vector<16xf32>
        %add3A_203 = arith.addf %get3A_198, %get3A_202 : vector<16xf32>
        %add3A_204 = arith.constant 0 : i32
        %add3A_205 = arith.addi %add3A_204, %scan3A_176 : i32
        %swap3A_206 = arith.index_cast %add3A_205 : i32 to index
        %swap3A_207 = arith.constant 16 : index
        %swap3A_208 = tpu.vector_load %arg7[%swap3A_206, %swap3A_207] {strides = array<i32>} : memref<800x64xf32, #tpu.memory_space<vmem>>, vector<1x16xf32>,
        %swap3A_209 = vector.shape_cast %swap3A_208 : vector<1x16xf32> to vector<16xf32>
        %swap3A_210 = vector.shape_cast %add3A_203 : vector<16xf32> to vector<1x16xf32>
        tpu.vector_store %arg7[%swap3A_206, %swap3A_207], %swap3A_210 {strides = array<i32>} : memref<800x64xf32, #tpu.memory_space<vmem>>, vector<1x16xf32>,
        %add3A_211 = arith.constant 0 : i32
        %add3A_212 = arith.addi %add3A_211, %scan3A_176 : i32
        %get3A_213 = arith.index_cast %add3A_212 : i32 to index
        %get3A_214 = arith.constant 32 : index
        %get3A_215 = tpu.vector_load %arg7[%get3A_213, %get3A_214] {strides = array<i32>} : memref<800x64xf32, #tpu.memory_space<vmem>>, vector<1x16xf32>,
        %get3A_216 = vector.shape_cast %get3A_215 : vector<1x16xf32> to vector<16xf32>
        %get3A_217 = arith.index_cast %scan3A_176 : i32 to index
        %get3A_218 = arith.constant 32 : index
        %get3A_219 = tpu.vector_load %arg8[%get3A_217, %get3A_218] {strides = array<i32>} : memref<200x64xf32, #tpu.memory_space<vmem>>, vector<1x16xf32>,
        %get3A_220 = vector.shape_cast %get3A_219 : vector<1x16xf32> to vector<16xf32>
        %add3A_221 = arith.addf %get3A_216, %get3A_220 : vector<16xf32>
        %add3A_222 = arith.constant 0 : i32
        %add3A_223 = arith.addi %add3A_222, %scan3A_176 : i32
        %swap3A_224 = arith.index_cast %add3A_223 : i32 to index
        %swap3A_225 = arith.constant 32 : index
        %swap3A_226 = tpu.vector_load %arg7[%swap3A_224, %swap3A_225] {strides = array<i32>} : memref<800x64xf32, #tpu.memory_space<vmem>>, vector<1x16xf32>,
        %swap3A_227 = vector.shape_cast %swap3A_226 : vector<1x16xf32> to vector<16xf32>
        %swap3A_228 = vector.shape_cast %add3A_221 : vector<16xf32> to vector<1x16xf32>
        tpu.vector_store %arg7[%swap3A_224, %swap3A_225], %swap3A_228 {strides = array<i32>} : memref<800x64xf32, #tpu.memory_space<vmem>>, vector<1x16xf32>,
        %add3A_229 = arith.constant 0 : i32
        %add3A_230 = arith.addi %add3A_229, %scan3A_176 : i32
        %get3A_231 = arith.index_cast %add3A_230 : i32 to index
        %get3A_232 = arith.constant 48 : index
        %get3A_233 = tpu.vector_load %arg7[%get3A_231, %get3A_232] {strides = array<i32>} : memref<800x64xf32, #tpu.memory_space<vmem>>, vector<1x16xf32>,
        %get3A_234 = vector.shape_cast %get3A_233 : vector<1x16xf32> to vector<16xf32>
        %get3A_235 = arith.index_cast %scan3A_176 : i32 to index
        %get3A_236 = arith.constant 48 : index
        %get3A_237 = tpu.vector_load %arg8[%get3A_235, %get3A_236] {strides = array<i32>} : memref<200x64xf32, #tpu.memory_space<vmem>>, vector<1x16xf32>,
        %get3A_238 = vector.shape_cast %get3A_237 : vector<1x16xf32> to vector<16xf32>
        %add3A_239 = arith.addf %get3A_234, %get3A_238 : vector<16xf32>
        %add3A_240 = arith.constant 0 : i32
        %add3A_241 = arith.addi %add3A_240, %scan3A_176 : i32
        %swap3A_242 = arith.index_cast %add3A_241 : i32 to index
        %swap3A_243 = arith.constant 48 : index
        %swap3A_244 = tpu.vector_load %arg7[%swap3A_242, %swap3A_243] {strides = array<i32>} : memref<800x64xf32, #tpu.memory_space<vmem>>, vector<1x16xf32>,
        %swap3A_245 = vector.shape_cast %swap3A_244 : vector<1x16xf32> to vector<16xf32>
        %swap3A_246 = vector.shape_cast %add3A_239 : vector<16xf32> to vector<1x16xf32>
        tpu.vector_store %arg7[%swap3A_242, %swap3A_243], %swap3A_246 {strides = array<i32>} : memref<800x64xf32, #tpu.memory_space<vmem>>, vector<1x16xf32>,
        %add3A_247 = arith.constant 200 : i32
        %add3A_248 = arith.addi %add3A_247, %scan3A_176 : i32
        %get3A_249 = arith.index_cast %add3A_248 : i32 to index
        %get3A_250 = arith.constant 0 : index
        %get3A_251 = tpu.vector_load %arg7[%get3A_249, %get3A_250] {strides = array<i32>} : memref<800x64xf32, #tpu.memory_space<vmem>>, vector<1x16xf32>,
        %get3A_252 = vector.shape_cast %get3A_251 : vector<1x16xf32> to vector<16xf32>
        %get3A_253 = arith.index_cast %scan3A_176 : i32 to index
        %get3A_254 = arith.constant 0 : index
        %get3A_255 = tpu.vector_load %arg8[%get3A_253, %get3A_254] {strides = array<i32>} : memref<200x64xf32, #tpu.memory_space<vmem>>, vector<1x16xf32>,
        %get3A_256 = vector.shape_cast %get3A_255 : vector<1x16xf32> to vector<16xf32>
        %add3A_257 = arith.addf %get3A_252, %get3A_256 : vector<16xf32>
        %add3A_258 = arith.constant 200 : i32
        %add3A_259 = arith.addi %add3A_258, %scan3A_176 : i32
        %swap3A_260 = arith.index_cast %add3A_259 : i32 to index
        %swap3A_261 = arith.constant 0 : index
        %swap3A_262 = tpu.vector_load %arg7[%swap3A_260, %swap3A_261] {strides = array<i32>} : memref<800x64xf32, #tpu.memory_space<vmem>>, vector<1x16xf32>,
        %swap3A_263 = vector.shape_cast %swap3A_262 : vector<1x16xf32> to vector<16xf32>
        %swap3A_264 = vector.shape_cast %add3A_257 : vector<16xf32> to vector<1x16xf32>
        tpu.vector_store %arg7[%swap3A_260, %swap3A_261], %swap3A_264 {strides = array<i32>} : memref<800x64xf32, #tpu.memory_space<vmem>>, vector<1x16xf32>,
        %add3A_265 = arith.constant 200 : i32
        %add3A_266 = arith.addi %add3A_265, %scan3A_176 : i32
        %get3A_267 = arith.index_cast %add3A_266 : i32 to index
        %get3A_268 = arith.constant 16 : index
        %get3A_269 = tpu.vector_load %arg7[%get3A_267, %get3A_268] {strides = array<i32>} : memref<800x64xf32, #tpu.memory_space<vmem>>, vector<1x16xf32>,
        %get3A_270 = vector.shape_cast %get3A_269 : vector<1x16xf32> to vector<16xf32>
        %get3A_271 = arith.index_cast %scan3A_176 : i32 to index
        %get3A_272 = arith.constant 16 : index
        %get3A_273 = tpu.vector_load %arg8[%get3A_271, %get3A_272] {strides = array<i32>} : memref<200x64xf32, #tpu.memory_space<vmem>>, vector<1x16xf32>,
        %get3A_274 = vector.shape_cast %get3A_273 : vector<1x16xf32> to vector<16xf32>
        %add3A_275 = arith.addf %get3A_270, %get3A_274 : vector<16xf32>
        %add3A_276 = arith.constant 200 : i32
        %add3A_277 = arith.addi %add3A_276, %scan3A_176 : i32
        %swap3A_278 = arith.index_cast %add3A_277 : i32 to index
        %swap3A_279 = arith.constant 16 : index
        %swap3A_280 = tpu.vector_load %arg7[%swap3A_278, %swap3A_279] {strides = array<i32>} : memref<800x64xf32, #tpu.memory_space<vmem>>, vector<1x16xf32>,
        %swap3A_281 = vector.shape_cast %swap3A_280 : vector<1x16xf32> to vector<16xf32>
        %swap3A_282 = vector.shape_cast %add3A_275 : vector<16xf32> to vector<1x16xf32>
        tpu.vector_store %arg7[%swap3A_278, %swap3A_279], %swap3A_282 {strides = array<i32>} : memref<800x64xf32, #tpu.memory_space<vmem>>, vector<1x16xf32>,
        %add3A_283 = arith.constant 200 : i32
        %add3A_284 = arith.addi %add3A_283, %scan3A_176 : i32
        %get3A_285 = arith.index_cast %add3A_284 : i32 to index
        %get3A_286 = arith.constant 32 : index
        %get3A_287 = tpu.vector_load %arg7[%get3A_285, %get3A_286] {strides = array<i32>} : memref<800x64xf32, #tpu.memory_space<vmem>>, vector<1x16xf32>,
        %get3A_288 = vector.shape_cast %get3A_287 : vector<1x16xf32> to vector<16xf32>
        %get3A_289 = arith.index_cast %scan3A_176 : i32 to index
        %get3A_290 = arith.constant 32 : index
        %get3A_291 = tpu.vector_load %arg8[%get3A_289, %get3A_290] {strides = array<i32>} : memref<200x64xf32, #tpu.memory_space<vmem>>, vector<1x16xf32>,
        %get3A_292 = vector.shape_cast %get3A_291 : vector<1x16xf32> to vector<16xf32>
        %add3A_293 = arith.addf %get3A_288, %get3A_292 : vector<16xf32>
        %add3A_294 = arith.constant 200 : i32
        %add3A_295 = arith.addi %add3A_294, %scan3A_176 : i32
        %swap3A_296 = arith.index_cast %add3A_295 : i32 to index
        %swap3A_297 = arith.constant 32 : index
        %swap3A_298 = tpu.vector_load %arg7[%swap3A_296, %swap3A_297] {strides = array<i32>} : memref<800x64xf32, #tpu.memory_space<vmem>>, vector<1x16xf32>,
        %swap3A_299 = vector.shape_cast %swap3A_298 : vector<1x16xf32> to vector<16xf32>
        %swap3A_300 = vector.shape_cast %add3A_293 : vector<16xf32> to vector<1x16xf32>
        tpu.vector_store %arg7[%swap3A_296, %swap3A_297], %swap3A_300 {strides = array<i32>} : memref<800x64xf32, #tpu.memory_space<vmem>>, vector<1x16xf32>,
        %add3A_301 = arith.constant 200 : i32
        %add3A_302 = arith.addi %add3A_301, %scan3A_176 : i32
        %get3A_303 = arith.index_cast %add3A_302 : i32 to index
        %get3A_304 = arith.constant 48 : index
        %get3A_305 = tpu.vector_load %arg7[%get3A_303, %get3A_304] {strides = array<i32>} : memref<800x64xf32, #tpu.memory_space<vmem>>, vector<1x16xf32>,
        %get3A_306 = vector.shape_cast %get3A_305 : vector<1x16xf32> to vector<16xf32>
        %get3A_307 = arith.index_cast %scan3A_176 : i32 to index
        %get3A_308 = arith.constant 48 : index
        %get3A_309 = tpu.vector_load %arg8[%get3A_307, %get3A_308] {strides = array<i32>} : memref<200x64xf32, #tpu.memory_space<vmem>>, vector<1x16xf32>,
        %get3A_310 = vector.shape_cast %get3A_309 : vector<1x16xf32> to vector<16xf32>
        %add3A_311 = arith.addf %get3A_306, %get3A_310 : vector<16xf32>
        %add3A_312 = arith.constant 200 : i32
        %add3A_313 = arith.addi %add3A_312, %scan3A_176 : i32
        %swap3A_314 = arith.index_cast %add3A_313 : i32 to index
        %swap3A_315 = arith.constant 48 : index
        %swap3A_316 = tpu.vector_load %arg7[%swap3A_314, %swap3A_315] {strides = array<i32>} : memref<800x64xf32, #tpu.memory_space<vmem>>, vector<1x16xf32>,
        %swap3A_317 = vector.shape_cast %swap3A_316 : vector<1x16xf32> to vector<16xf32>
        %swap3A_318 = vector.shape_cast %add3A_311 : vector<16xf32> to vector<1x16xf32>
        tpu.vector_store %arg7[%swap3A_314, %swap3A_315], %swap3A_318 {strides = array<i32>} : memref<800x64xf32, #tpu.memory_space<vmem>>, vector<1x16xf32>,
        %add3A_319 = arith.constant 400 : i32
        %add3A_320 = arith.addi %add3A_319, %scan3A_176 : i32
        %get3A_321 = arith.index_cast %add3A_320 : i32 to index
        %get3A_322 = arith.constant 0 : index
        %get3A_323 = tpu.vector_load %arg7[%get3A_321, %get3A_322] {strides = array<i32>} : memref<800x64xf32, #tpu.memory_space<vmem>>, vector<1x16xf32>,
        %get3A_324 = vector.shape_cast %get3A_323 : vector<1x16xf32> to vector<16xf32>
        %get3A_325 = arith.index_cast %scan3A_176 : i32 to index
        %get3A_326 = arith.constant 0 : index
        %get3A_327 = tpu.vector_load %arg8[%get3A_325, %get3A_326] {strides = array<i32>} : memref<200x64xf32, #tpu.memory_space<vmem>>, vector<1x16xf32>,
        %get3A_328 = vector.shape_cast %get3A_327 : vector<1x16xf32> to vector<16xf32>
        %add3A_329 = arith.addf %get3A_324, %get3A_328 : vector<16xf32>
        %add3A_330 = arith.constant 400 : i32
        %add3A_331 = arith.addi %add3A_330, %scan3A_176 : i32
        %swap3A_332 = arith.index_cast %add3A_331 : i32 to index
        %swap3A_333 = arith.constant 0 : index
        %swap3A_334 = tpu.vector_load %arg7[%swap3A_332, %swap3A_333] {strides = array<i32>} : memref<800x64xf32, #tpu.memory_space<vmem>>, vector<1x16xf32>,
        %swap3A_335 = vector.shape_cast %swap3A_334 : vector<1x16xf32> to vector<16xf32>
        %swap3A_336 = vector.shape_cast %add3A_329 : vector<16xf32> to vector<1x16xf32>
        tpu.vector_store %arg7[%swap3A_332, %swap3A_333], %swap3A_336 {strides = array<i32>} : memref<800x64xf32, #tpu.memory_space<vmem>>, vector<1x16xf32>,
        %add3A_337 = arith.constant 400 : i32
        %add3A_338 = arith.addi %add3A_337, %scan3A_176 : i32
        %get3A_339 = arith.index_cast %add3A_338 : i32 to index
        %get3A_340 = arith.constant 16 : index
        %get3A_341 = tpu.vector_load %arg7[%get3A_339, %get3A_340] {strides = array<i32>} : memref<800x64xf32, #tpu.memory_space<vmem>>, vector<1x16xf32>,
        %get3A_342 = vector.shape_cast %get3A_341 : vector<1x16xf32> to vector<16xf32>
        %get3A_343 = arith.index_cast %scan3A_176 : i32 to index
        %get3A_344 = arith.constant 16 : index
        %get3A_345 = tpu.vector_load %arg8[%get3A_343, %get3A_344] {strides = array<i32>} : memref<200x64xf32, #tpu.memory_space<vmem>>, vector<1x16xf32>,
        %get3A_346 = vector.shape_cast %get3A_345 : vector<1x16xf32> to vector<16xf32>
        %add3A_347 = arith.addf %get3A_342, %get3A_346 : vector<16xf32>
        %add3A_348 = arith.constant 400 : i32
        %add3A_349 = arith.addi %add3A_348, %scan3A_176 : i32
        %swap3A_350 = arith.index_cast %add3A_349 : i32 to index
        %swap3A_351 = arith.constant 16 : index
        %swap3A_352 = tpu.vector_load %arg7[%swap3A_350, %swap3A_351] {strides = array<i32>} : memref<800x64xf32, #tpu.memory_space<vmem>>, vector<1x16xf32>,
        %swap3A_353 = vector.shape_cast %swap3A_352 : vector<1x16xf32> to vector<16xf32>
        %swap3A_354 = vector.shape_cast %add3A_347 : vector<16xf32> to vector<1x16xf32>
        tpu.vector_store %arg7[%swap3A_350, %swap3A_351], %swap3A_354 {strides = array<i32>} : memref<800x64xf32, #tpu.memory_space<vmem>>, vector<1x16xf32>,
        %add3A_355 = arith.constant 400 : i32
        %add3A_356 = arith.addi %add3A_355, %scan3A_176 : i32
        %get3A_357 = arith.index_cast %add3A_356 : i32 to index
        %get3A_358 = arith.constant 32 : index
        %get3A_359 = tpu.vector_load %arg7[%get3A_357, %get3A_358] {strides = array<i32>} : memref<800x64xf32, #tpu.memory_space<vmem>>, vector<1x16xf32>,
        %get3A_360 = vector.shape_cast %get3A_359 : vector<1x16xf32> to vector<16xf32>
        %get3A_361 = arith.index_cast %scan3A_176 : i32 to index
        %get3A_362 = arith.constant 32 : index
        %get3A_363 = tpu.vector_load %arg8[%get3A_361, %get3A_362] {strides = array<i32>} : memref<200x64xf32, #tpu.memory_space<vmem>>, vector<1x16xf32>,
        %get3A_364 = vector.shape_cast %get3A_363 : vector<1x16xf32> to vector<16xf32>
        %add3A_365 = arith.addf %get3A_360, %get3A_364 : vector<16xf32>
        %add3A_366 = arith.constant 400 : i32
        %add3A_367 = arith.addi %add3A_366, %scan3A_176 : i32
        %swap3A_368 = arith.index_cast %add3A_367 : i32 to index
        %swap3A_369 = arith.constant 32 : index
        %swap3A_370 = tpu.vector_load %arg7[%swap3A_368, %swap3A_369] {strides = array<i32>} : memref<800x64xf32, #tpu.memory_space<vmem>>, vector<1x16xf32>,
        %swap3A_371 = vector.shape_cast %swap3A_370 : vector<1x16xf32> to vector<16xf32>
        %swap3A_372 = vector.shape_cast %add3A_365 : vector<16xf32> to vector<1x16xf32>
        tpu.vector_store %arg7[%swap3A_368, %swap3A_369], %swap3A_372 {strides = array<i32>} : memref<800x64xf32, #tpu.memory_space<vmem>>, vector<1x16xf32>,
        %add3A_373 = arith.constant 400 : i32
        %add3A_374 = arith.addi %add3A_373, %scan3A_176 : i32
        %get3A_375 = arith.index_cast %add3A_374 : i32 to index
        %get3A_376 = arith.constant 48 : index
        %get3A_377 = tpu.vector_load %arg7[%get3A_375, %get3A_376] {strides = array<i32>} : memref<800x64xf32, #tpu.memory_space<vmem>>, vector<1x16xf32>,
        %get3A_378 = vector.shape_cast %get3A_377 : vector<1x16xf32> to vector<16xf32>
        %get3A_379 = arith.index_cast %scan3A_176 : i32 to index
        %get3A_380 = arith.constant 48 : index
        %get3A_381 = tpu.vector_load %arg8[%get3A_379, %get3A_380] {strides = array<i32>} : memref<200x64xf32, #tpu.memory_space<vmem>>, vector<1x16xf32>,
        %get3A_382 = vector.shape_cast %get3A_381 : vector<1x16xf32> to vector<16xf32>
        %add3A_383 = arith.addf %get3A_378, %get3A_382 : vector<16xf32>
        %add3A_384 = arith.constant 400 : i32
        %add3A_385 = arith.addi %add3A_384, %scan3A_176 : i32
        %swap3A_386 = arith.index_cast %add3A_385 : i32 to index
        %swap3A_387 = arith.constant 48 : index
        %swap3A_388 = tpu.vector_load %arg7[%swap3A_386, %swap3A_387] {strides = array<i32>} : memref<800x64xf32, #tpu.memory_space<vmem>>, vector<1x16xf32>,
        %swap3A_389 = vector.shape_cast %swap3A_388 : vector<1x16xf32> to vector<16xf32>
        %swap3A_390 = vector.shape_cast %add3A_383 : vector<16xf32> to vector<1x16xf32>
        tpu.vector_store %arg7[%swap3A_386, %swap3A_387], %swap3A_390 {strides = array<i32>} : memref<800x64xf32, #tpu.memory_space<vmem>>, vector<1x16xf32>,
        %add3A_391 = arith.constant 600 : i32
        %add3A_392 = arith.addi %add3A_391, %scan3A_176 : i32
        %get3A_393 = arith.index_cast %add3A_392 : i32 to index
        %get3A_394 = arith.constant 0 : index
        %get3A_395 = tpu.vector_load %arg7[%get3A_393, %get3A_394] {strides = array<i32>} : memref<800x64xf32, #tpu.memory_space<vmem>>, vector<1x16xf32>,
        %get3A_396 = vector.shape_cast %get3A_395 : vector<1x16xf32> to vector<16xf32>
        %get3A_397 = arith.index_cast %scan3A_176 : i32 to index
        %get3A_398 = arith.constant 0 : index
        %get3A_399 = tpu.vector_load %arg8[%get3A_397, %get3A_398] {strides = array<i32>} : memref<200x64xf32, #tpu.memory_space<vmem>>, vector<1x16xf32>,
        %get3A_400 = vector.shape_cast %get3A_399 : vector<1x16xf32> to vector<16xf32>
        %add3A_401 = arith.addf %get3A_396, %get3A_400 : vector<16xf32>
        %add3A_402 = arith.constant 600 : i32
        %add3A_403 = arith.addi %add3A_402, %scan3A_176 : i32
        %swap3A_404 = arith.index_cast %add3A_403 : i32 to index
        %swap3A_405 = arith.constant 0 : index
        %swap3A_406 = tpu.vector_load %arg7[%swap3A_404, %swap3A_405] {strides = array<i32>} : memref<800x64xf32, #tpu.memory_space<vmem>>, vector<1x16xf32>,
        %swap3A_407 = vector.shape_cast %swap3A_406 : vector<1x16xf32> to vector<16xf32>
        %swap3A_408 = vector.shape_cast %add3A_401 : vector<16xf32> to vector<1x16xf32>
        tpu.vector_store %arg7[%swap3A_404, %swap3A_405], %swap3A_408 {strides = array<i32>} : memref<800x64xf32, #tpu.memory_space<vmem>>, vector<1x16xf32>,
        %add3A_409 = arith.constant 600 : i32
        %add3A_410 = arith.addi %add3A_409, %scan3A_176 : i32
        %get3A_411 = arith.index_cast %add3A_410 : i32 to index
        %get3A_412 = arith.constant 16 : index
        %get3A_413 = tpu.vector_load %arg7[%get3A_411, %get3A_412] {strides = array<i32>} : memref<800x64xf32, #tpu.memory_space<vmem>>, vector<1x16xf32>,
        %get3A_414 = vector.shape_cast %get3A_413 : vector<1x16xf32> to vector<16xf32>
        %get3A_415 = arith.index_cast %scan3A_176 : i32 to index
        %get3A_416 = arith.constant 16 : index
        %get3A_417 = tpu.vector_load %arg8[%get3A_415, %get3A_416] {strides = array<i32>} : memref<200x64xf32, #tpu.memory_space<vmem>>, vector<1x16xf32>,
        %get3A_418 = vector.shape_cast %get3A_417 : vector<1x16xf32> to vector<16xf32>
        %add3A_419 = arith.addf %get3A_414, %get3A_418 : vector<16xf32>
        %add3A_420 = arith.constant 600 : i32
        %add3A_421 = arith.addi %add3A_420, %scan3A_176 : i32
        %swap3A_422 = arith.index_cast %add3A_421 : i32 to index
        %swap3A_423 = arith.constant 16 : index
        %swap3A_424 = tpu.vector_load %arg7[%swap3A_422, %swap3A_423] {strides = array<i32>} : memref<800x64xf32, #tpu.memory_space<vmem>>, vector<1x16xf32>,
        %swap3A_425 = vector.shape_cast %swap3A_424 : vector<1x16xf32> to vector<16xf32>
        %swap3A_426 = vector.shape_cast %add3A_419 : vector<16xf32> to vector<1x16xf32>
        tpu.vector_store %arg7[%swap3A_422, %swap3A_423], %swap3A_426 {strides = array<i32>} : memref<800x64xf32, #tpu.memory_space<vmem>>, vector<1x16xf32>,
        %add3A_427 = arith.constant 600 : i32
        %add3A_428 = arith.addi %add3A_427, %scan3A_176 : i32
        %get3A_429 = arith.index_cast %add3A_428 : i32 to index
        %get3A_430 = arith.constant 32 : index
        %get3A_431 = tpu.vector_load %arg7[%get3A_429, %get3A_430] {strides = array<i32>} : memref<800x64xf32, #tpu.memory_space<vmem>>, vector<1x16xf32>,
        %get3A_432 = vector.shape_cast %get3A_431 : vector<1x16xf32> to vector<16xf32>
        %get3A_433 = arith.index_cast %scan3A_176 : i32 to index
        %get3A_434 = arith.constant 32 : index
        %get3A_435 = tpu.vector_load %arg8[%get3A_433, %get3A_434] {strides = array<i32>} : memref<200x64xf32, #tpu.memory_space<vmem>>, vector<1x16xf32>,
        %get3A_436 = vector.shape_cast %get3A_435 : vector<1x16xf32> to vector<16xf32>
        %add3A_437 = arith.addf %get3A_432, %get3A_436 : vector<16xf32>
        %add3A_438 = arith.constant 600 : i32
        %add3A_439 = arith.addi %add3A_438, %scan3A_176 : i32
        %swap3A_440 = arith.index_cast %add3A_439 : i32 to index
        %swap3A_441 = arith.constant 32 : index
        %swap3A_442 = tpu.vector_load %arg7[%swap3A_440, %swap3A_441] {strides = array<i32>} : memref<800x64xf32, #tpu.memory_space<vmem>>, vector<1x16xf32>,
        %swap3A_443 = vector.shape_cast %swap3A_442 : vector<1x16xf32> to vector<16xf32>
        %swap3A_444 = vector.shape_cast %add3A_437 : vector<16xf32> to vector<1x16xf32>
        tpu.vector_store %arg7[%swap3A_440, %swap3A_441], %swap3A_444 {strides = array<i32>} : memref<800x64xf32, #tpu.memory_space<vmem>>, vector<1x16xf32>,
        %add3A_445 = arith.constant 600 : i32
        %add3A_446 = arith.addi %add3A_445, %scan3A_176 : i32
        %get3A_447 = arith.index_cast %add3A_446 : i32 to index
        %get3A_448 = arith.constant 48 : index
        %get3A_449 = tpu.vector_load %arg7[%get3A_447, %get3A_448] {strides = array<i32>} : memref<800x64xf32, #tpu.memory_space<vmem>>, vector<1x16xf32>,
        %get3A_450 = vector.shape_cast %get3A_449 : vector<1x16xf32> to vector<16xf32>
        %get3A_451 = arith.index_cast %scan3A_176 : i32 to index
        %get3A_452 = arith.constant 48 : index
        %get3A_453 = tpu.vector_load %arg8[%get3A_451, %get3A_452] {strides = array<i32>} : memref<200x64xf32, #tpu.memory_space<vmem>>, vector<1x16xf32>,
        %get3A_454 = vector.shape_cast %get3A_453 : vector<1x16xf32> to vector<16xf32>
        %add3A_455 = arith.addf %get3A_450, %get3A_454 : vector<16xf32>
        %add3A_456 = arith.constant 600 : i32
        %add3A_457 = arith.addi %add3A_456, %scan3A_176 : i32
        %swap3A_458 = arith.index_cast %add3A_457 : i32 to index
        %swap3A_459 = arith.constant 48 : index
        %swap3A_460 = tpu.vector_load %arg7[%swap3A_458, %swap3A_459] {strides = array<i32>} : memref<800x64xf32, #tpu.memory_space<vmem>>, vector<1x16xf32>,
        %swap3A_461 = vector.shape_cast %swap3A_460 : vector<1x16xf32> to vector<16xf32>
        %swap3A_462 = vector.shape_cast %add3A_455 : vector<16xf32> to vector<1x16xf32>
        tpu.vector_store %arg7[%swap3A_458, %swap3A_459], %swap3A_462 {strides = array<i32>} : memref<800x64xf32, #tpu.memory_space<vmem>>, vector<1x16xf32>,
        %scan3A_463 = arith.constant 1 : i32
        %scan3A_464 = arith.addi %scan3A_176, %scan3A_463 : i32
        %add3A_465 = arith.constant 0 : i32
        %add3A_466 = arith.addi %add3A_465, %scan3A_464 : i32
        %get3A_467 = arith.index_cast %add3A_466 : i32 to index
        %get3A_468 = arith.constant 0 : index
        %get3A_469 = tpu.vector_load %arg7[%get3A_467, %get3A_468] {strides = array<i32>} : memref<800x64xf32, #tpu.memory_space<vmem>>, vector<1x16xf32>,
        %get3A_470 = vector.shape_cast %get3A_469 : vector<1x16xf32> to vector<16xf32>
        %get3A_471 = arith.index_cast %scan3A_464 : i32 to index
        %get3A_472 = arith.constant 0 : index
        %get3A_473 = tpu.vector_load %arg8[%get3A_471, %get3A_472] {strides = array<i32>} : memref<200x64xf32, #tpu.memory_space<vmem>>, vector<1x16xf32>,
        %get3A_474 = vector.shape_cast %get3A_473 : vector<1x16xf32> to vector<16xf32>
        %add3A_475 = arith.addf %get3A_470, %get3A_474 : vector<16xf32>
        %add3A_476 = arith.constant 0 : i32
        %add3A_477 = arith.addi %add3A_476, %scan3A_464 : i32
        %swap3A_478 = arith.index_cast %add3A_477 : i32 to index
        %swap3A_479 = arith.constant 0 : index
        %swap3A_480 = tpu.vector_load %arg7[%swap3A_478, %swap3A_479] {strides = array<i32>} : memref<800x64xf32, #tpu.memory_space<vmem>>, vector<1x16xf32>,
        %swap3A_481 = vector.shape_cast %swap3A_480 : vector<1x16xf32> to vector<16xf32>
        %swap3A_482 = vector.shape_cast %add3A_475 : vector<16xf32> to vector<1x16xf32>
        tpu.vector_store %arg7[%swap3A_478, %swap3A_479], %swap3A_482 {strides = array<i32>} : memref<800x64xf32, #tpu.memory_space<vmem>>, vector<1x16xf32>,
        %add3A_483 = arith.constant 0 : i32
        %add3A_484 = arith.addi %add3A_483, %scan3A_464 : i32
        %get3A_485 = arith.index_cast %add3A_484 : i32 to index
        %get3A_486 = arith.constant 16 : index
        %get3A_487 = tpu.vector_load %arg7[%get3A_485, %get3A_486] {strides = array<i32>} : memref<800x64xf32, #tpu.memory_space<vmem>>, vector<1x16xf32>,
        %get3A_488 = vector.shape_cast %get3A_487 : vector<1x16xf32> to vector<16xf32>
        %get3A_489 = arith.index_cast %scan3A_464 : i32 to index
        %get3A_490 = arith.constant 16 : index
        %get3A_491 = tpu.vector_load %arg8[%get3A_489, %get3A_490] {strides = array<i32>} : memref<200x64xf32, #tpu.memory_space<vmem>>, vector<1x16xf32>,
        %get3A_492 = vector.shape_cast %get3A_491 : vector<1x16xf32> to vector<16xf32>
        %add3A_493 = arith.addf %get3A_488, %get3A_492 : vector<16xf32>
        %add3A_494 = arith.constant 0 : i32
        %add3A_495 = arith.addi %add3A_494, %scan3A_464 : i32
        %swap3A_496 = arith.index_cast %add3A_495 : i32 to index
        %swap3A_497 = arith.constant 16 : index
        %swap3A_498 = tpu.vector_load %arg7[%swap3A_496, %swap3A_497] {strides = array<i32>} : memref<800x64xf32, #tpu.memory_space<vmem>>, vector<1x16xf32>,
        %swap3A_499 = vector.shape_cast %swap3A_498 : vector<1x16xf32> to vector<16xf32>
        %swap3A_500 = vector.shape_cast %add3A_493 : vector<16xf32> to vector<1x16xf32>
        tpu.vector_store %arg7[%swap3A_496, %swap3A_497], %swap3A_500 {strides = array<i32>} : memref<800x64xf32, #tpu.memory_space<vmem>>, vector<1x16xf32>,
        %add3A_501 = arith.constant 0 : i32
        %add3A_502 = arith.addi %add3A_501, %scan3A_464 : i32
        %get3A_503 = arith.index_cast %add3A_502 : i32 to index
        %get3A_504 = arith.constant 32 : index
        %get3A_505 = tpu.vector_load %arg7[%get3A_503, %get3A_504] {strides = array<i32>} : memref<800x64xf32, #tpu.memory_space<vmem>>, vector<1x16xf32>,
        %get3A_506 = vector.shape_cast %get3A_505 : vector<1x16xf32> to vector<16xf32>
        %get3A_507 = arith.index_cast %scan3A_464 : i32 to index
        %get3A_508 = arith.constant 32 : index
        %get3A_509 = tpu.vector_load %arg8[%get3A_507, %get3A_508] {strides = array<i32>} : memref<200x64xf32, #tpu.memory_space<vmem>>, vector<1x16xf32>,
        %get3A_510 = vector.shape_cast %get3A_509 : vector<1x16xf32> to vector<16xf32>
        %add3A_511 = arith.addf %get3A_506, %get3A_510 : vector<16xf32>
        %add3A_512 = arith.constant 0 : i32
        %add3A_513 = arith.addi %add3A_512, %scan3A_464 : i32
        %swap3A_514 = arith.index_cast %add3A_513 : i32 to index
        %swap3A_515 = arith.constant 32 : index
        %swap3A_516 = tpu.vector_load %arg7[%swap3A_514, %swap3A_515] {strides = array<i32>} : memref<800x64xf32, #tpu.memory_space<vmem>>, vector<1x16xf32>,
        %swap3A_517 = vector.shape_cast %swap3A_516 : vector<1x16xf32> to vector<16xf32>
        %swap3A_518 = vector.shape_cast %add3A_511 : vector<16xf32> to vector<1x16xf32>
        tpu.vector_store %arg7[%swap3A_514, %swap3A_515], %swap3A_518 {strides = array<i32>} : memref<800x64xf32, #tpu.memory_space<vmem>>, vector<1x16xf32>,
        %add3A_519 = arith.constant 0 : i32
        %add3A_520 = arith.addi %add3A_519, %scan3A_464 : i32
        %get3A_521 = arith.index_cast %add3A_520 : i32 to index
        %get3A_522 = arith.constant 48 : index
        %get3A_523 = tpu.vector_load %arg7[%get3A_521, %get3A_522] {strides = array<i32>} : memref<800x64xf32, #tpu.memory_space<vmem>>, vector<1x16xf32>,
        %get3A_524 = vector.shape_cast %get3A_523 : vector<1x16xf32> to vector<16xf32>
        %get3A_525 = arith.index_cast %scan3A_464 : i32 to index
        %get3A_526 = arith.constant 48 : index
        %get3A_527 = tpu.vector_load %arg8[%get3A_525, %get3A_526] {strides = array<i32>} : memref<200x64xf32, #tpu.memory_space<vmem>>, vector<1x16xf32>,
        %get3A_528 = vector.shape_cast %get3A_527 : vector<1x16xf32> to vector<16xf32>
        %add3A_529 = arith.addf %get3A_524, %get3A_528 : vector<16xf32>
        %add3A_530 = arith.constant 0 : i32
        %add3A_531 = arith.addi %add3A_530, %scan3A_464 : i32
        %swap3A_532 = arith.index_cast %add3A_531 : i32 to index
        %swap3A_533 = arith.constant 48 : index
        %swap3A_534 = tpu.vector_load %arg7[%swap3A_532, %swap3A_533] {strides = array<i32>} : memref<800x64xf32, #tpu.memory_space<vmem>>, vector<1x16xf32>,
        %swap3A_535 = vector.shape_cast %swap3A_534 : vector<1x16xf32> to vector<16xf32>
        %swap3A_536 = vector.shape_cast %add3A_529 : vector<16xf32> to vector<1x16xf32>
        tpu.vector_store %arg7[%swap3A_532, %swap3A_533], %swap3A_536 {strides = array<i32>} : memref<800x64xf32, #tpu.memory_space<vmem>>, vector<1x16xf32>,
        %add3A_537 = arith.constant 200 : i32
        %add3A_538 = arith.addi %add3A_537, %scan3A_464 : i32
        %get3A_539 = arith.index_cast %add3A_538 : i32 to index
        %get3A_540 = arith.constant 0 : index
        %get3A_541 = tpu.vector_load %arg7[%get3A_539, %get3A_540] {strides = array<i32>} : memref<800x64xf32, #tpu.memory_space<vmem>>, vector<1x16xf32>,
        %get3A_542 = vector.shape_cast %get3A_541 : vector<1x16xf32> to vector<16xf32>
        %get3A_543 = arith.index_cast %scan3A_464 : i32 to index
        %get3A_544 = arith.constant 0 : index
        %get3A_545 = tpu.vector_load %arg8[%get3A_543, %get3A_544] {strides = array<i32>} : memref<200x64xf32, #tpu.memory_space<vmem>>, vector<1x16xf32>,
        %get3A_546 = vector.shape_cast %get3A_545 : vector<1x16xf32> to vector<16xf32>
        %add3A_547 = arith.addf %get3A_542, %get3A_546 : vector<16xf32>
        %add3A_548 = arith.constant 200 : i32
        %add3A_549 = arith.addi %add3A_548, %scan3A_464 : i32
        %swap3A_550 = arith.index_cast %add3A_549 : i32 to index
        %swap3A_551 = arith.constant 0 : index
        %swap3A_552 = tpu.vector_load %arg7[%swap3A_550, %swap3A_551] {strides = array<i32>} : memref<800x64xf32, #tpu.memory_space<vmem>>, vector<1x16xf32>,
        %swap3A_553 = vector.shape_cast %swap3A_552 : vector<1x16xf32> to vector<16xf32>
        %swap3A_554 = vector.shape_cast %add3A_547 : vector<16xf32> to vector<1x16xf32>
        tpu.vector_store %arg7[%swap3A_550, %swap3A_551], %swap3A_554 {strides = array<i32>} : memref<800x64xf32, #tpu.memory_space<vmem>>, vector<1x16xf32>,
        %add3A_555 = arith.constant 200 : i32
        %add3A_556 = arith.addi %add3A_555, %scan3A_464 : i32
        %get3A_557 = arith.index_cast %add3A_556 : i32 to index
        %get3A_558 = arith.constant 16 : index
        %get3A_559 = tpu.vector_load %arg7[%get3A_557, %get3A_558] {strides = array<i32>} : memref<800x64xf32, #tpu.memory_space<vmem>>, vector<1x16xf32>,
        %get3A_560 = vector.shape_cast %get3A_559 : vector<1x16xf32> to vector<16xf32>
        %get3A_561 = arith.index_cast %scan3A_464 : i32 to index
        %get3A_562 = arith.constant 16 : index
        %get3A_563 = tpu.vector_load %arg8[%get3A_561, %get3A_562] {strides = array<i32>} : memref<200x64xf32, #tpu.memory_space<vmem>>, vector<1x16xf32>,
        %get3A_564 = vector.shape_cast %get3A_563 : vector<1x16xf32> to vector<16xf32>
        %add3A_565 = arith.addf %get3A_560, %get3A_564 : vector<16xf32>
        %add3A_566 = arith.constant 200 : i32
        %add3A_567 = arith.addi %add3A_566, %scan3A_464 : i32
        %swap3A_568 = arith.index_cast %add3A_567 : i32 to index
        %swap3A_569 = arith.constant 16 : index
        %swap3A_570 = tpu.vector_load %arg7[%swap3A_568, %swap3A_569] {strides = array<i32>} : memref<800x64xf32, #tpu.memory_space<vmem>>, vector<1x16xf32>,
        %swap3A_571 = vector.shape_cast %swap3A_570 : vector<1x16xf32> to vector<16xf32>
        %swap3A_572 = vector.shape_cast %add3A_565 : vector<16xf32> to vector<1x16xf32>
        tpu.vector_store %arg7[%swap3A_568, %swap3A_569], %swap3A_572 {strides = array<i32>} : memref<800x64xf32, #tpu.memory_space<vmem>>, vector<1x16xf32>,
        %add3A_573 = arith.constant 200 : i32
        %add3A_574 = arith.addi %add3A_573, %scan3A_464 : i32
        %get3A_575 = arith.index_cast %add3A_574 : i32 to index
        %get3A_576 = arith.constant 32 : index
        %get3A_577 = tpu.vector_load %arg7[%get3A_575, %get3A_576] {strides = array<i32>} : memref<800x64xf32, #tpu.memory_space<vmem>>, vector<1x16xf32>,
        %get3A_578 = vector.shape_cast %get3A_577 : vector<1x16xf32> to vector<16xf32>
        %get3A_579 = arith.index_cast %scan3A_464 : i32 to index
        %get3A_580 = arith.constant 32 : index
        %get3A_581 = tpu.vector_load %arg8[%get3A_579, %get3A_580] {strides = array<i32>} : memref<200x64xf32, #tpu.memory_space<vmem>>, vector<1x16xf32>,
        %get3A_582 = vector.shape_cast %get3A_581 : vector<1x16xf32> to vector<16xf32>
        %add3A_583 = arith.addf %get3A_578, %get3A_582 : vector<16xf32>
        %add3A_584 = arith.constant 200 : i32
        %add3A_585 = arith.addi %add3A_584, %scan3A_464 : i32
        %swap3A_586 = arith.index_cast %add3A_585 : i32 to index
        %swap3A_587 = arith.constant 32 : index
        %swap3A_588 = tpu.vector_load %arg7[%swap3A_586, %swap3A_587] {strides = array<i32>} : memref<800x64xf32, #tpu.memory_space<vmem>>, vector<1x16xf32>,
        %swap3A_589 = vector.shape_cast %swap3A_588 : vector<1x16xf32> to vector<16xf32>
        %swap3A_590 = vector.shape_cast %add3A_583 : vector<16xf32> to vector<1x16xf32>
        tpu.vector_store %arg7[%swap3A_586, %swap3A_587], %swap3A_590 {strides = array<i32>} : memref<800x64xf32, #tpu.memory_space<vmem>>, vector<1x16xf32>,
        %add3A_591 = arith.constant 200 : i32
        %add3A_592 = arith.addi %add3A_591, %scan3A_464 : i32
        %get3A_593 = arith.index_cast %add3A_592 : i32 to index
        %get3A_594 = arith.constant 48 : index
        %get3A_595 = tpu.vector_load %arg7[%get3A_593, %get3A_594] {strides = array<i32>} : memref<800x64xf32, #tpu.memory_space<vmem>>, vector<1x16xf32>,
        %get3A_596 = vector.shape_cast %get3A_595 : vector<1x16xf32> to vector<16xf32>
        %get3A_597 = arith.index_cast %scan3A_464 : i32 to index
        %get3A_598 = arith.constant 48 : index
        %get3A_599 = tpu.vector_load %arg8[%get3A_597, %get3A_598] {strides = array<i32>} : memref<200x64xf32, #tpu.memory_space<vmem>>, vector<1x16xf32>,
        %get3A_600 = vector.shape_cast %get3A_599 : vector<1x16xf32> to vector<16xf32>
        %add3A_601 = arith.addf %get3A_596, %get3A_600 : vector<16xf32>
        %add3A_602 = arith.constant 200 : i32
        %add3A_603 = arith.addi %add3A_602, %scan3A_464 : i32
        %swap3A_604 = arith.index_cast %add3A_603 : i32 to index
        %swap3A_605 = arith.constant 48 : index
        %swap3A_606 = tpu.vector_load %arg7[%swap3A_604, %swap3A_605] {strides = array<i32>} : memref<800x64xf32, #tpu.memory_space<vmem>>, vector<1x16xf32>,
        %swap3A_607 = vector.shape_cast %swap3A_606 : vector<1x16xf32> to vector<16xf32>
        %swap3A_608 = vector.shape_cast %add3A_601 : vector<16xf32> to vector<1x16xf32>
        tpu.vector_store %arg7[%swap3A_604, %swap3A_605], %swap3A_608 {strides = array<i32>} : memref<800x64xf32, #tpu.memory_space<vmem>>, vector<1x16xf32>,
        %add3A_609 = arith.constant 400 : i32
        %add3A_610 = arith.addi %add3A_609, %scan3A_464 : i32
        %get3A_611 = arith.index_cast %add3A_610 : i32 to index
        %get3A_612 = arith.constant 0 : index
        %get3A_613 = tpu.vector_load %arg7[%get3A_611, %get3A_612] {strides = array<i32>} : memref<800x64xf32, #tpu.memory_space<vmem>>, vector<1x16xf32>,
        %get3A_614 = vector.shape_cast %get3A_613 : vector<1x16xf32> to vector<16xf32>
        %get3A_615 = arith.index_cast %scan3A_464 : i32 to index
        %get3A_616 = arith.constant 0 : index
        %get3A_617 = tpu.vector_load %arg8[%get3A_615, %get3A_616] {strides = array<i32>} : memref<200x64xf32, #tpu.memory_space<vmem>>, vector<1x16xf32>,
        %get3A_618 = vector.shape_cast %get3A_617 : vector<1x16xf32> to vector<16xf32>
        %add3A_619 = arith.addf %get3A_614, %get3A_618 : vector<16xf32>
        %add3A_620 = arith.constant 400 : i32
        %add3A_621 = arith.addi %add3A_620, %scan3A_464 : i32
        %swap3A_622 = arith.index_cast %add3A_621 : i32 to index
        %swap3A_623 = arith.constant 0 : index
        %swap3A_624 = tpu.vector_load %arg7[%swap3A_622, %swap3A_623] {strides = array<i32>} : memref<800x64xf32, #tpu.memory_space<vmem>>, vector<1x16xf32>,
        %swap3A_625 = vector.shape_cast %swap3A_624 : vector<1x16xf32> to vector<16xf32>
        %swap3A_626 = vector.shape_cast %add3A_619 : vector<16xf32> to vector<1x16xf32>
        tpu.vector_store %arg7[%swap3A_622, %swap3A_623], %swap3A_626 {strides = array<i32>} : memref<800x64xf32, #tpu.memory_space<vmem>>, vector<1x16xf32>,
        %add3A_627 = arith.constant 400 : i32
        %add3A_628 = arith.addi %add3A_627, %scan3A_464 : i32
        %get3A_629 = arith.index_cast %add3A_628 : i32 to index
        %get3A_630 = arith.constant 16 : index
        %get3A_631 = tpu.vector_load %arg7[%get3A_629, %get3A_630] {strides = array<i32>} : memref<800x64xf32, #tpu.memory_space<vmem>>, vector<1x16xf32>,
        %get3A_632 = vector.shape_cast %get3A_631 : vector<1x16xf32> to vector<16xf32>
        %get3A_633 = arith.index_cast %scan3A_464 : i32 to index
        %get3A_634 = arith.constant 16 : index
        %get3A_635 = tpu.vector_load %arg8[%get3A_633, %get3A_634] {strides = array<i32>} : memref<200x64xf32, #tpu.memory_space<vmem>>, vector<1x16xf32>,
        %get3A_636 = vector.shape_cast %get3A_635 : vector<1x16xf32> to vector<16xf32>
        %add3A_637 = arith.addf %get3A_632, %get3A_636 : vector<16xf32>
        %add3A_638 = arith.constant 400 : i32
        %add3A_639 = arith.addi %add3A_638, %scan3A_464 : i32
        %swap3A_640 = arith.index_cast %add3A_639 : i32 to index
        %swap3A_641 = arith.constant 16 : index
        %swap3A_642 = tpu.vector_load %arg7[%swap3A_640, %swap3A_641] {strides = array<i32>} : memref<800x64xf32, #tpu.memory_space<vmem>>, vector<1x16xf32>,
        %swap3A_643 = vector.shape_cast %swap3A_642 : vector<1x16xf32> to vector<16xf32>
        %swap3A_644 = vector.shape_cast %add3A_637 : vector<16xf32> to vector<1x16xf32>
        tpu.vector_store %arg7[%swap3A_640, %swap3A_641], %swap3A_644 {strides = array<i32>} : memref<800x64xf32, #tpu.memory_space<vmem>>, vector<1x16xf32>,
        %add3A_645 = arith.constant 400 : i32
        %add3A_646 = arith.addi %add3A_645, %scan3A_464 : i32
        %get3A_647 = arith.index_cast %add3A_646 : i32 to index
        %get3A_648 = arith.constant 32 : index
        %get3A_649 = tpu.vector_load %arg7[%get3A_647, %get3A_648] {strides = array<i32>} : memref<800x64xf32, #tpu.memory_space<vmem>>, vector<1x16xf32>,
        %get3A_650 = vector.shape_cast %get3A_649 : vector<1x16xf32> to vector<16xf32>
        %get3A_651 = arith.index_cast %scan3A_464 : i32 to index
        %get3A_652 = arith.constant 32 : index
        %get3A_653 = tpu.vector_load %arg8[%get3A_651, %get3A_652] {strides = array<i32>} : memref<200x64xf32, #tpu.memory_space<vmem>>, vector<1x16xf32>,
        %get3A_654 = vector.shape_cast %get3A_653 : vector<1x16xf32> to vector<16xf32>
        %add3A_655 = arith.addf %get3A_650, %get3A_654 : vector<16xf32>
        %add3A_656 = arith.constant 400 : i32
        %add3A_657 = arith.addi %add3A_656, %scan3A_464 : i32
        %swap3A_658 = arith.index_cast %add3A_657 : i32 to index
        %swap3A_659 = arith.constant 32 : index
        %swap3A_660 = tpu.vector_load %arg7[%swap3A_658, %swap3A_659] {strides = array<i32>} : memref<800x64xf32, #tpu.memory_space<vmem>>, vector<1x16xf32>,
        %swap3A_661 = vector.shape_cast %swap3A_660 : vector<1x16xf32> to vector<16xf32>
        %swap3A_662 = vector.shape_cast %add3A_655 : vector<16xf32> to vector<1x16xf32>
        tpu.vector_store %arg7[%swap3A_658, %swap3A_659], %swap3A_662 {strides = array<i32>} : memref<800x64xf32, #tpu.memory_space<vmem>>, vector<1x16xf32>,
        %add3A_663 = arith.constant 400 : i32
        %add3A_664 = arith.addi %add3A_663, %scan3A_464 : i32
        %get3A_665 = arith.index_cast %add3A_664 : i32 to index
        %get3A_666 = arith.constant 48 : index
        %get3A_667 = tpu.vector_load %arg7[%get3A_665, %get3A_666] {strides = array<i32>} : memref<800x64xf32, #tpu.memory_space<vmem>>, vector<1x16xf32>,
        %get3A_668 = vector.shape_cast %get3A_667 : vector<1x16xf32> to vector<16xf32>
        %get3A_669 = arith.index_cast %scan3A_464 : i32 to index
        %get3A_670 = arith.constant 48 : index
        %get3A_671 = tpu.vector_load %arg8[%get3A_669, %get3A_670] {strides = array<i32>} : memref<200x64xf32, #tpu.memory_space<vmem>>, vector<1x16xf32>,
        %get3A_672 = vector.shape_cast %get3A_671 : vector<1x16xf32> to vector<16xf32>
        %add3A_673 = arith.addf %get3A_668, %get3A_672 : vector<16xf32>
        %add3A_674 = arith.constant 400 : i32
        %add3A_675 = arith.addi %add3A_674, %scan3A_464 : i32
        %swap3A_676 = arith.index_cast %add3A_675 : i32 to index
        %swap3A_677 = arith.constant 48 : index
        %swap3A_678 = tpu.vector_load %arg7[%swap3A_676, %swap3A_677] {strides = array<i32>} : memref<800x64xf32, #tpu.memory_space<vmem>>, vector<1x16xf32>,
        %swap3A_679 = vector.shape_cast %swap3A_678 : vector<1x16xf32> to vector<16xf32>
        %swap3A_680 = vector.shape_cast %add3A_673 : vector<16xf32> to vector<1x16xf32>
        tpu.vector_store %arg7[%swap3A_676, %swap3A_677], %swap3A_680 {strides = array<i32>} : memref<800x64xf32, #tpu.memory_space<vmem>>, vector<1x16xf32>,
        %add3A_681 = arith.constant 600 : i32
        %add3A_682 = arith.addi %add3A_681, %scan3A_464 : i32
        %get3A_683 = arith.index_cast %add3A_682 : i32 to index
        %get3A_684 = arith.constant 0 : index
        %get3A_685 = tpu.vector_load %arg7[%get3A_683, %get3A_684] {strides = array<i32>} : memref<800x64xf32, #tpu.memory_space<vmem>>, vector<1x16xf32>,
        %get3A_686 = vector.shape_cast %get3A_685 : vector<1x16xf32> to vector<16xf32>
        %get3A_687 = arith.index_cast %scan3A_464 : i32 to index
        %get3A_688 = arith.constant 0 : index
        %get3A_689 = tpu.vector_load %arg8[%get3A_687, %get3A_688] {strides = array<i32>} : memref<200x64xf32, #tpu.memory_space<vmem>>, vector<1x16xf32>,
        %get3A_690 = vector.shape_cast %get3A_689 : vector<1x16xf32> to vector<16xf32>
        %add3A_691 = arith.addf %get3A_686, %get3A_690 : vector<16xf32>
        %add3A_692 = arith.constant 600 : i32
        %add3A_693 = arith.addi %add3A_692, %scan3A_464 : i32
        %swap3A_694 = arith.index_cast %add3A_693 : i32 to index
        %swap3A_695 = arith.constant 0 : index
        %swap3A_696 = tpu.vector_load %arg7[%swap3A_694, %swap3A_695] {strides = array<i32>} : memref<800x64xf32, #tpu.memory_space<vmem>>, vector<1x16xf32>,
        %swap3A_697 = vector.shape_cast %swap3A_696 : vector<1x16xf32> to vector<16xf32>
        %swap3A_698 = vector.shape_cast %add3A_691 : vector<16xf32> to vector<1x16xf32>
        tpu.vector_store %arg7[%swap3A_694, %swap3A_695], %swap3A_698 {strides = array<i32>} : memref<800x64xf32, #tpu.memory_space<vmem>>, vector<1x16xf32>,
        %add3A_699 = arith.constant 600 : i32
        %add3A_700 = arith.addi %add3A_699, %scan3A_464 : i32
        %get3A_701 = arith.index_cast %add3A_700 : i32 to index
        %get3A_702 = arith.constant 16 : index
        %get3A_703 = tpu.vector_load %arg7[%get3A_701, %get3A_702] {strides = array<i32>} : memref<800x64xf32, #tpu.memory_space<vmem>>, vector<1x16xf32>,
        %get3A_704 = vector.shape_cast %get3A_703 : vector<1x16xf32> to vector<16xf32>
        %get3A_705 = arith.index_cast %scan3A_464 : i32 to index
        %get3A_706 = arith.constant 16 : index
        %get3A_707 = tpu.vector_load %arg8[%get3A_705, %get3A_706] {strides = array<i32>} : memref<200x64xf32, #tpu.memory_space<vmem>>, vector<1x16xf32>,
        %get3A_708 = vector.shape_cast %get3A_707 : vector<1x16xf32> to vector<16xf32>
        %add3A_709 = arith.addf %get3A_704, %get3A_708 : vector<16xf32>
        %add3A_710 = arith.constant 600 : i32
        %add3A_711 = arith.addi %add3A_710, %scan3A_464 : i32
        %swap3A_712 = arith.index_cast %add3A_711 : i32 to index
        %swap3A_713 = arith.constant 16 : index
        %swap3A_714 = tpu.vector_load %arg7[%swap3A_712, %swap3A_713] {strides = array<i32>} : memref<800x64xf32, #tpu.memory_space<vmem>>, vector<1x16xf32>,
        %swap3A_715 = vector.shape_cast %swap3A_714 : vector<1x16xf32> to vector<16xf32>
        %swap3A_716 = vector.shape_cast %add3A_709 : vector<16xf32> to vector<1x16xf32>
        tpu.vector_store %arg7[%swap3A_712, %swap3A_713], %swap3A_716 {strides = array<i32>} : memref<800x64xf32, #tpu.memory_space<vmem>>, vector<1x16xf32>,
        %add3A_717 = arith.constant 600 : i32
        %add3A_718 = arith.addi %add3A_717, %scan3A_464 : i32
        %get3A_719 = arith.index_cast %add3A_718 : i32 to index
        %get3A_720 = arith.constant 32 : index
        %get3A_721 = tpu.vector_load %arg7[%get3A_719, %get3A_720] {strides = array<i32>} : memref<800x64xf32, #tpu.memory_space<vmem>>, vector<1x16xf32>,
        %get3A_722 = vector.shape_cast %get3A_721 : vector<1x16xf32> to vector<16xf32>
        %get3A_723 = arith.index_cast %scan3A_464 : i32 to index
        %get3A_724 = arith.constant 32 : index
        %get3A_725 = tpu.vector_load %arg8[%get3A_723, %get3A_724] {strides = array<i32>} : memref<200x64xf32, #tpu.memory_space<vmem>>, vector<1x16xf32>,
        %get3A_726 = vector.shape_cast %get3A_725 : vector<1x16xf32> to vector<16xf32>
        %add3A_727 = arith.addf %get3A_722, %get3A_726 : vector<16xf32>
        %add3A_728 = arith.constant 600 : i32
        %add3A_729 = arith.addi %add3A_728, %scan3A_464 : i32
        %swap3A_730 = arith.index_cast %add3A_729 : i32 to index
        %swap3A_731 = arith.constant 32 : index
        %swap3A_732 = tpu.vector_load %arg7[%swap3A_730, %swap3A_731] {strides = array<i32>} : memref<800x64xf32, #tpu.memory_space<vmem>>, vector<1x16xf32>,
        %swap3A_733 = vector.shape_cast %swap3A_732 : vector<1x16xf32> to vector<16xf32>
        %swap3A_734 = vector.shape_cast %add3A_727 : vector<16xf32> to vector<1x16xf32>
        tpu.vector_store %arg7[%swap3A_730, %swap3A_731], %swap3A_734 {strides = array<i32>} : memref<800x64xf32, #tpu.memory_space<vmem>>, vector<1x16xf32>,
        %add3A_735 = arith.constant 600 : i32
        %add3A_736 = arith.addi %add3A_735, %scan3A_464 : i32
        %get3A_737 = arith.index_cast %add3A_736 : i32 to index
        %get3A_738 = arith.constant 48 : index
        %get3A_739 = tpu.vector_load %arg7[%get3A_737, %get3A_738] {strides = array<i32>} : memref<800x64xf32, #tpu.memory_space<vmem>>, vector<1x16xf32>,
        %get3A_740 = vector.shape_cast %get3A_739 : vector<1x16xf32> to vector<16xf32>
        %get3A_741 = arith.index_cast %scan3A_464 : i32 to index
        %get3A_742 = arith.constant 48 : index
        %get3A_743 = tpu.vector_load %arg8[%get3A_741, %get3A_742] {strides = array<i32>} : memref<200x64xf32, #tpu.memory_space<vmem>>, vector<1x16xf32>,
        %get3A_744 = vector.shape_cast %get3A_743 : vector<1x16xf32> to vector<16xf32>
        %add3A_745 = arith.addf %get3A_740, %get3A_744 : vector<16xf32>
        %add3A_746 = arith.constant 600 : i32
        %add3A_747 = arith.addi %add3A_746, %scan3A_464 : i32
        %swap3A_748 = arith.index_cast %add3A_747 : i32 to index
        %swap3A_749 = arith.constant 48 : index
        %swap3A_750 = tpu.vector_load %arg7[%swap3A_748, %swap3A_749] {strides = array<i32>} : memref<800x64xf32, #tpu.memory_space<vmem>>, vector<1x16xf32>,
        %swap3A_751 = vector.shape_cast %swap3A_750 : vector<1x16xf32> to vector<16xf32>
        %swap3A_752 = vector.shape_cast %add3A_745 : vector<16xf32> to vector<1x16xf32>
        tpu.vector_store %arg7[%swap3A_748, %swap3A_749], %swap3A_752 {strides = array<i32>} : memref<800x64xf32, #tpu.memory_space<vmem>>, vector<1x16xf32>,
      }
      %scan3A_175 = arith.constant 200 : i32
      "tpu.region"() ({
        %run_scoped3A = tpu.sem_alloc : memref<!tpu.dma_semaphore, #tpu.memory_space<semaphore_mem>>
        %dma_start3A_176 = arith.constant 0 : i32
        %dma_start3A_177 = tpu.memref_slice %arg5[%add3A_11, %dma_start3A_176] : memref<819200x64xf32, #tpu.memory_space<hbm>> -> memref<800x64xf32, #tpu.memory_space<hbm>>
        %dma_start3A_178 = arith.constant 0 : i32
        %dma_start3A_179 = tpu.memref_slice %arg5[%add3A_11, %dma_start3A_178] : memref<819200x64xf32, #tpu.memory_space<hbm>> -> memref<800x64xf32, #tpu.memory_space<hbm>>
        tpu.enqueue_dma source(%arg7 : memref<800x64xf32, #tpu.memory_space<vmem>>) target(%dma_start3A_179 : memref<800x64xf32, #tpu.memory_space<hbm>>) target_semaphore(%run_scoped3A : memref<!tpu.dma_semaphore, #tpu.memory_space<semaphore_mem>>)
        %dma_wait3A_180 = arith.constant 0 : i32
        %dma_wait3A_181 = tpu.memref_slice %arg5[%add3A_11, %dma_wait3A_180] : memref<819200x64xf32, #tpu.memory_space<hbm>> -> memref<800x64xf32, #tpu.memory_space<hbm>>
        %dma_wait3A_182 = arith.constant 0 : i32
        %dma_wait3A_183 = tpu.memref_slice %arg5[%add3A_11, %dma_wait3A_182] : memref<819200x64xf32, #tpu.memory_space<hbm>> -> memref<800x64xf32, #tpu.memory_space<hbm>>
        tpu.wait_dma2 semaphore(%run_scoped3A : memref<!tpu.dma_semaphore, #tpu.memory_space<semaphore_mem>>) src(%arg7 : memref<800x64xf32, #tpu.memory_space<vmem>>) dst(%dma_wait3A_183 : memref<800x64xf32, #tpu.memory_space<hbm>>)
        tpu.yield
      }) : () -> ()
    }
    %scan3A_7 = arith.constant 32 : i32
    return
  }
}

</mosaic_0001>

<sc_bundles>
// kernel: kernel.3.cloned.1.call-start
scs
__scs_entry_jumppad:
0x0: {  	(pc) =	sbr.rel $0x88, $3  }
0x1: {  	(tag) =	ssettag $0x0;
	lr =	simm.s32 $0x1  }
0x2: {  	[smem:$0x3F9E] =	sst lr;
	_ =	strace $0xD0000000  }
0x3: {  	_ = 	snop  }
0x4: {  	_ = 	snop  }
0x5: {  	_ = 	snop  }
0x6: {  	_ = 	snop  }
0x7: {  	_ = 	snop  }
__scs_overlays_trampoline_lowered:
0x8: {  	[smem:$0x3FAD] =	sst s0  }
0x9: {  	[smem:$0x3FAE] =	sst s1  }
0xa: {  	[smem:$0x3FAF] =	sst s2  }
0xb: {  	[smem:$0x3FB0] =	sst s3  }
0xc: {  	[smem:$0x3FB1] =	sst s4  }
0xd: {  	[smem:$0x3FB2] =	sst s5  }
0xe: {  	[smem:$0x3FB3] =	sst s6  }
0xf: {  	[smem:$0x3FB4] =	sst s7  }
0x10: {  	[smem:$0x3FB5] =	sst s8  }
0x11: {  	[smem:$0x3FB6] =	sst s9;
	s0 =	simm.s32 @!p0 $0x0  }
0x12: {  	s1 =	sld [smem:$0x3F9C];
	s0 =	simm.s32 @p0 $0x1  }
0x13: {  	[smem:$0x3FB7] =	sst s0;
	s0 =	simm.s32 @!p1 $0x0  }
0x14: {  	s2 =	sld [smem:$0x3F9B];
	s0 =	simm.s32 @p1 $0x1  }
0x15: {  	[smem:$0x3FB8] =	sst s0;
	s0 =	simm.s32 @!p2 $0x0  }
0x16: {  	s3 =	sld [smem:$0x3FDB];
	s0 =	simm.s32 @p2 $0x1  }
0x17: {  	s4 =	simm.s32 $0x1BF5;
	[smem:$0x3FBA] =	sst s0  }
0x18: {  	s0 =	sld [smem:$0x3F9D];
	_ =	swait.ge [sflag:s4], $0x0  }
0x19: {  	s7 =	sld [smem:$0x3F9E]  }
0x1a: {  	s8 =	sadd.s32 $0xFFFFE003, lr  }
0x1b: {  	s9 =	sadd.s32 $0xFFFFFEF7, lr;
	s5 =	simm.s32 $0xFFFFFFFF;
	p2 =	slt.u32 s8, $0xFFFFF086  }
0x1c: {  	p1 =	slt.u32 s9, $0xF7A;
	s5 =	simm.s32 @!p2 $0x0  }
0x1d: {  	s5 =	simm.s32 @p1 $0x1;
	p0 =	seq.s32 s7, s2  }
0x1e: {  	s7 =	smul.u32 @!p0 $0xF7A, s2;
	p2 =	seq.s32 @!p0 s5, $0x0  }
0x1f: {  	s9 =	smul.u32 $0xF7A, s1;
	s8 =	simm.s32 @!p0 $0x1BF5;
	p2 =	por !p2, p0  }
0x20: {  	[sflag:s8] =	ssyncset.s32 @!p0 $0xFFFFF086;
	s6 =	sadd.s32 @!p0 s3, s7;
	s7 =	simm.s32 @!p0 $0x108  }
0x21: {  	s3 =	sadd.s32 s3, s9;
	s6 =	sadd.s32 @!p0 $0x88, s6;
	s7 =	simm.s32 @p2 $0x1082  }
0x22: {  	[simem:s7], [sflag:s8] =	dma.local @!p0 [hbm:s6], $0xF7A  }
0x23: {  	s9 =	sor.u32 $0xD0000000, s2;
	s6 =	simm.s32 $0x108;
	_ =	swait.ge @!p0 [sflag:s8], $0x0  }
0x24: {  	s3 =	sadd.s32 $0x88, s3;
	s6 =	simm.s32 @!p1 $0x1082;
	[sflag:s4] =	ssyncset.s32 $0xFFFFF086  }
0x25: {  	[simem:s6], [sflag:s4] =	dma.local [hbm:s3], $0xF7A  }
0x26: {  	[smem:$0x3F9E] =	sst s1;
	(tag) =	ssettag s2;
	_ =	strace s9  }
0x27: {  	s1 =	sld [smem:$0x3FAE]  }
0x28: {  	s2 =	sld [smem:$0x3FAF]  }
0x29: {  	s4 =	sld [smem:$0x3FB1]  }
0x2a: {  	p0 =	seq.s32 s5, $0x0;
	s5 =	sld [smem:$0x3FB2]  }
0x2b: {  	s6 =	sld [smem:$0x3FB3]  }
0x2c: {  	s7 =	sld [smem:$0x3FB4]  }
0x2d: {  	s3 =	simm.s32 $0x108;
	s8 =	sld [smem:$0x3FB5]  }
0x2e: {  	s3 =	simm.s32 @!p0 $0x1082;
	s9 =	sld [smem:$0x3FB6]  }
0x2f: {  	lr =	sadd.s32 s0, s3;
	s0 =	sld [smem:$0x3FAD]  }
0x30: {  	s3 =	sld [smem:$0x3FB0]  }
0x31: {  	[smem:$0x3FB9] =	sst s10  }
0x32: {  	s10 =	sld [smem:$0x3FB7];
	_ =	sdelay $0x3  }
0x33: {  	p0 =	seq.s32 s10, $0x1;
	s10 =	sld [smem:$0x3FB9];
	_ =	sdelay $0x3  }
0x34: {  	[smem:$0x3FB9] =	sst s10  }
0x35: {  	s10 =	sld [smem:$0x3FB8];
	_ =	sdelay $0x3  }
0x36: {  	p1 =	seq.s32 s10, $0x1;
	s10 =	sld [smem:$0x3FB9];
	_ =	sdelay $0x3  }
0x37: {  	[smem:$0x3FB9] =	sst s10  }
0x38: {  	s10 =	sld [smem:$0x3FBA]  }
0x39: {  	_ = 	snop;
	(pc) =	sbr.ind lr, $3  }
0x3a: {  	_ = 	snop  }
0x3b: {  	_ = 	snop  }
0x3c: {  	p2 =	seq.s32 s10, $0x1;
	s10 =	sld [smem:$0x3FB9]  }
0x3d: {  	_ =	shalt  }
0x3e: {  	_ =	shalt  }
0x3f: {  	_ =	shalt  }
0x40: {  	_ =	shalt  }
0x41: {  	_ =	shalt  }
0x42: {  	_ =	shalt  }
0x43: {  	_ =	shalt  }
0x44: {  	_ =	shalt  }
0x45: {  	_ =	shalt  }
0x46: {  	_ =	shalt  }
0x47: {  	_ =	shalt  }
0x48: {  	_ =	shalt  }
0x49: {  	_ =	shalt  }
0x4a: {  	_ =	shalt  }
0x4b: {  	_ =	shalt  }
0x4c: {  	_ =	shalt  }
0x4d: {  	_ =	shalt  }
0x4e: {  	_ =	shalt  }
0x4f: {  	_ =	shalt  }
0x50: {  	_ =	shalt  }
0x51: {  	_ =	shalt  }
0x52: {  	_ =	shalt  }
0x53: {  	_ =	shalt  }
0x54: {  	_ =	shalt  }
0x55: {  	_ =	shalt  }
0x56: {  	_ =	shalt  }
0x57: {  	_ =	shalt  }
0x58: {  	_ =	shalt  }
0x59: {  	_ =	shalt  }
0x5a: {  	_ =	shalt  }
0x5b: {  	_ =	shalt  }
0x5c: {  	_ =	shalt  }
0x5d: {  	_ =	shalt  }
0x5e: {  	_ =	shalt  }
0x5f: {  	_ =	shalt  }
0x60: {  	_ =	shalt  }
0x61: {  	_ =	shalt  }
0x62: {  	_ =	shalt  }
0x63: {  	_ =	shalt  }
0x64: {  	_ =	shalt  }
0x65: {  	_ =	shalt  }
0x66: {  	_ =	shalt  }
0x67: {  	_ =	shalt  }
0x68: {  	_ =	shalt  }
0x69: {  	_ =	shalt  }
0x6a: {  	_ =	shalt  }
0x6b: {  	_ =	shalt  }
0x6c: {  	_ =	shalt  }
0x6d: {  	_ =	shalt  }
0x6e: {  	_ =	shalt  }
0x6f: {  	_ =	shalt  }
0x70: {  	_ =	shalt  }
0x71: {  	_ =	shalt  }
0x72: {  	_ =	shalt  }
0x73: {  	_ =	shalt  }
0x74: {  	_ =	shalt  }
0x75: {  	_ =	shalt  }
0x76: {  	_ =	shalt  }
0x77: {  	_ =	shalt  }
0x78: {  	_ =	shalt  }
0x79: {  	_ =	shalt  }
0x7a: {  	_ =	shalt  }
0x7b: {  	_ =	shalt  }
0x7c: {  	_ =	shalt  }
0x7d: {  	_ =	shalt  }
0x7e: {  	_ =	shalt  }
0x7f: {  	_ =	shalt  }
0x80: {  	_ =	shalt  }
0x81: {  	_ =	shalt  }
0x82: {  	_ =	shalt  }
0x83: {  	_ =	shalt  }
0x84: {  	_ =	shalt  }
0x85: {  	_ =	shalt  }
0x86: {  	_ =	shalt  }
0x87: {  	_ =	shalt  }
.Lfunc_end0:
.L_simem_size_0:
called_computation.1_lowered:
.L_overlay_start_0:
0x88: {  	s2 =	sld [smem:$0x3FD9]  }
0x89: {  	s3 =	sld [smem:$0x3FFE];
	_ =	sdelay $0x1  }
0x8a: {  	s1 =	srdreg.scid  }
0x8b: {  	s0 =	sand.u32 $0x1, s1  }
0x8c: {  	s17 =	sshll.u32 s0, $0xA;
	s2 =	sadd.s32 s3, s2  }
0x8d: {  	s2 =	sadd.s32 s2, s17  }
0x8e: {  	[smem:$0x3FC5] =	sst s2  }
0x8f: {  	_ = 	snop  }
0x90: {  	s2 =	sld [smem:$0x3FD0];
	(tm) =	ssettm $0x1  }
0x91: {  	s18 =	sld [smem:$0x3FFB];
	_ =	sdelay $0x3  }
0x92: {  	_ =	strace s18  }
0x93: {  	s3 =	sld [smem:$0x3FFC];
	_ =	sdelay $0x3  }
0x94: {  	_ =	strace s3  }
0x95: {  	s3 =	sld [smem:$0x3FFD];
	_ =	sdelay $0x3  }
0x96: {  	_ =	strace s3  }
0x97: {  	_ =	strace $0x8FFFFFFF  }
0x98: {  	s19 =	sld [smem:$0x3FDB];
	_ =	sdelay $0x1  }
0x99: {  	s4 =	simm.s32 $_scs_section_size  }
0x9a: {  	s5 =	simm.s32 $_size__tile_overlayer_lowered;
	s6 =	simm.s32 $_tile_overlayer_lowered  }
0x9b: {  	s22 =	simm.s32 $0x1BFF;
	s21 =	sshll.u32 s6, $0x1;
	s3 =	sadd.s32 s4, s19  }
0x9c: {  	s7 =	simm.s32 $0x0;
	s20 =	sshll.u32 s5, $0x1;
	s5 =	sadd.s32 s21, s3  }
0x9d: {  	[timem:s7], [sflag:s22] =	dma.local [hbm:s5], s20  }
0x9e: {  	_ =	swait.ge [sflag:s22], s20  }
0x9f: {  	s4 =	ssub.s32 $0x0, s20;
	[sflag:s22] =	ssyncset.done $0x0  }
0xa0: {  	[sflag:s22] =	ssyncadd.s32 s4;
	_ =	sdelay $0x1  }
0xa1: {  	s23 =	simm.s32 $0x1B8B  }
0xa2: {  	_ =	swait.ge [sflag:s23], $0x1  }
0xa3: {  	[sflag:s23] =	ssyncset.done $0x0  }
0xa4: {  	s25 =	simm.s32 $0x1B8E;
	s24 =	sld [smem:$0x3FFE];
	[sflag:s23] =	ssyncadd.s32 $0xFFFFFFFF  }
0xa5: {  	s26 =	simm.s32 $execute0_lowered;
	[smem:$0x3FD2] =	sst s25  }
0xa6: {  	s5 =	sshll.u32 s26, $0x1;
	_ =	strace $0x80000046;
	[dreg:$0x1] =	wrdreg $0xFFFFFFFF  }
0xa7: {  	s28 =	simm.s32 $_size_execute0_lowered;
	s3 =	sadd.s32 s3, s5;
	[dreg:$0x0] =	wrdreg $0x0  }
0xa8: {  	s5 =	sshll.u32 s28, $0x1;
	[dreg:$0x2] =	wrdreg s3  }
0xa9: {  	[dreg:$0x3] =	wrdreg s5  }
0xaa: {  	[dreg:$0x4] =	wrdreg $0xC0  }
0xab: {  	_ =	task [dreg:s7], $0x5FFFF  }
0xac: {  	[dreg:$0x1] =	wrdreg $0xFFFFFFFF  }
0xad: {  	[dreg:$0x0] =	wrdreg $0x60  }
0xae: {  	[dreg:$0x2] =	wrdreg s24  }
0xaf: {  	[dreg:$0x3] =	wrdreg s2  }
0xb0: {  	[dreg:$0x4] =	wrdreg $0x9  }
0xb1: {  	_ =	task.clear_ibuf [dreg:s7], $0x5FFFF;
	_ =	strace $0x90000046  }
0xb2: {  	s29 =	simm.s32 $0x9;
	_ =	strace $0x80000048  }
0xb3: {  	_ =	swait.ge [sflag:s29], $0x1  }
0xb4: {  	[sflag:s29] =	ssyncadd.s32 $0xFFFFFFFF  }
0xb5: {  	_ =	strace $0x90000048  }
0xb6: {  	_ =	sfence  }
0xb7: {  	s30 =	sld [smem:$0x0];
	_ =	sdelay $0x2  }
0xb8: {  	s31 =	sshll.u32 s1, $0xD;
	s1 =	sshrl.u32 s1, $0x2  }
0xb9: {  	s3 =	sand.u32 $0x4000, s31;
	s1 =	sadd.s32 s1, s30  }
0xba: {  	s0 =	sor.u32 s3, s0;
	s1 =	sshll.u32 s1, $0x11  }
0xbb: {  	s0 =	sor.u32 s1, s0  }
0xbc: {  	s0 =	sadd.s32 $0x8F2B, s0  }
0xbd: {  	[sflag:s0] =	ssyncadd.remote.s32 $0x1  }
0xbe: {  	_ =	sfence.sel $0xFFFF  }
0xbf: {  	[dreg:$0x0] =	wrdreg $0xFFFFFFFF;
	(pc) =	sbr.abs _section_cstart, $3  }
0xc0: {  	[dreg:$0x1] =	wrdreg $0xFFFFFFFF  }
0xc1: {  	_ =	task.clear_ibuf [dreg:s7], $0x2FFFF;
	_ =	strace $0x9FFFFFFF  }
0xc2: {  	(tm) =	ssettm $0x7FFFFFFF  }
0xc3: {  	_ =	shalt  }
tec
execute0_lowered:
.L_overlay_start_1:
0x0: {  	(tag) =	ssettag $0x1  }
0x1: {  	s0 =	rddreg [dreg:$0x0];
	s3 =	simm.s32 $0x0  }
0x2: {  	s2 =	srdreg.scid;
	s1 =	stileid.u32;
	s10 =	simm.s32 $0x2  }
0x3: {  	s11 =	simm.s32 $0x50;
	s12 =	simm.s32 $0x320;
	s13 =	simm.s32 $0x1720  }
0x4: {  	s14 =	simm.s32 $0xA0;
	s15 =	simm.s32 $0x2B20;
	s16 =	simm.s32 $0xF0  }
0x5: {  	s17 =	simm.s32 $0x3F20;
	s18 =	simm.s32 $0x140;
	s19 =	simm.s32 $0x5320  }
0x6: {  	s20 =	simm.s32 $0x190;
	s21 =	simm.s32 $0x6720;
	s22 =	simm.s32 $0x1E0  }
0x7: {  	s23 =	simm.s32 $0x7B20;
	s24 =	simm.s32 $0x230;
	s25 =	simm.s32 $0x8F20  }
0x8: {  	s28 =	simm.s32 $0xA320;
	s29 =	simm.s32 $0x2D0;
	s30 =	simm.s32 $0xB720  }
0x9: {  	s31 =	simm.s32 $0x1;
	[smem:$0x7FF] =	sst s3;
	s2 =	sand.u32 $0x1, s2  }
0xa: {  	s4 =	sadd.s32 $0xC00, s0;
	s7 =	sshll.u32 s1, $0x1;
	s6 =	ssub.s32 $0x2, s2  }
0xb: {  	s5 =	sadd.s32 $0xF43000, s0;
	s0 =	sadd.s32 $0x19C00, s0;
	s8 =	sshrl.u32 s6, $0x1  }
0xc: {  	s1 =	simm.s32 $0x0;
	_ =	strace $0x80000047;
	s26 =	ssub.s32 s6, s8  }
0xd: {  	s2 =	sor.u32 s2, s7;
	[dreg:$0x3] =	wrdreg s0;
	s0 =	smax.u32 s26, $0x1  }
0xe: {  	s7 =	smul.u32 $0x6400, s2;
	s26 =	simm.s32 $0x280;
	[dreg:$0x4] =	wrdreg s0  }
.LBB2_1:
0xf: {  	[dreg:$0x5] =	wrdreg s1  }
0x10: {  	s0 =	rddreg [dreg:$0x3];
	s9 =	simm.s32 $0xCB20  }
0x11: {  	[tilespmem:s9], [sflag:$0x2] =	stream.linear.gather [hbm4b:s0+s3], $0x3200, $0x38;
	[tilespmem:$0xFD20] =	vst v63  }
0x12: {  	_ =	swait.ge [sflag:s10], $0x3200  }
0x13: {  	[sflag:s10] =	ssyncset.done $0x0  }
0x14: {  	s2 =	simm.s32 $0x0;
	[sflag:s10] =	ssyncadd.s32 $0xFFFFCE00  }
.LBB2_2:
0x15: {  	s0 =	smul.u32 $0x320, s2;
	_ =	sdelay $0x1  }
0x16: {  	s9 =	sadd.s32 s7, s0  }
0x17: {  	s0 =	sshrl.u32 s9, $0x3  }
0x18: {  	s6 =	simm.s32 $0x0;
	s0 =	sadd.s32 s4, s0  }
0x19: {  	[tilespmem:s6], [sflag:$0x2] =	stream.linear.gather [hbm4b:s0+s6], $0x320, $0x38;
	[tilespmem:$0xFD20] =	vst v63  }
0x1a: {  	_ =	swait.ge [sflag:s10], $0x320  }
0x1b: {  	[sflag:s10] =	ssyncset.done $0x0  }
0x1c: {  	[sflag:s10] =	ssyncadd.s32 $0xFFFFFCE0  }
0x1d: {  	[tilespmem:s12], [sflag:$0x1] =	stream.indirect.gather [hbm4b:s5+s11], $0x40, s6, s11, $0xb8;
	[tilespmem:$0xFD20] =	vst v63  }
0x1e: {  	_ = 	snop  }
0x1f: {  	[tilespmem:s13], [sflag:$0x1] =	stream.indirect.gather [hbm4b:s5+s11], $0x40, s11, s11, $0xb8;
	[tilespmem:$0xFD20] =	vst v63  }
0x20: {  	_ = 	snop  }
0x21: {  	[tilespmem:s15], [sflag:$0x1] =	stream.indirect.gather [hbm4b:s5+s11], $0x40, s14, s11, $0xb8;
	[tilespmem:$0xFD20] =	vst v63  }
0x22: {  	_ = 	snop  }
0x23: {  	[tilespmem:s17], [sflag:$0x1] =	stream.indirect.gather [hbm4b:s5+s11], $0x40, s16, s11, $0xb8;
	[tilespmem:$0xFD20] =	vst v63  }
0x24: {  	_ = 	snop  }
0x25: {  	[tilespmem:s19], [sflag:$0x1] =	stream.indirect.gather [hbm4b:s5+s11], $0x40, s18, s11, $0xb8;
	[tilespmem:$0xFD20] =	vst v63  }
0x26: {  	_ = 	snop  }
0x27: {  	[tilespmem:s21], [sflag:$0x1] =	stream.indirect.gather [hbm4b:s5+s11], $0x40, s20, s11, $0xb8;
	[tilespmem:$0xFD20] =	vst v63  }
0x28: {  	_ = 	snop  }
0x29: {  	[tilespmem:s23], [sflag:$0x1] =	stream.indirect.gather [hbm4b:s5+s11], $0x40, s22, s11, $0xb8;
	[tilespmem:$0xFD20] =	vst v63  }
0x2a: {  	_ = 	snop  }
0x2b: {  	[tilespmem:s25], [sflag:$0x1] =	stream.indirect.gather [hbm4b:s5+s11], $0x40, s24, s11, $0xb8;
	[tilespmem:$0xFD20] =	vst v63  }
0x2c: {  	_ = 	snop  }
0x2d: {  	[tilespmem:s28], [sflag:$0x1] =	stream.indirect.gather [hbm4b:s5+s11], $0x40, s26, s11, $0xb8;
	[tilespmem:$0xFD20] =	vst v63  }
0x2e: {  	_ = 	snop  }
0x2f: {  	[tilespmem:s30], [sflag:$0x1] =	stream.indirect.gather [hbm4b:s5+s11], $0x40, s29, s11, $0xb8;
	[tilespmem:$0xFD20] =	vst v63  }
0x30: {  	_ =	swait.ge [sflag:s31], $0x1400  }
0x31: {  	[sflag:s31] =	ssyncset.done $0x0  }
0x32: {  	[sflag:s31] =	ssyncadd.s32 $0xFFFFEC00  }
0x33: {  	_ =	swait.ge [sflag:s31], $0x1400  }
0x34: {  	[sflag:s31] =	ssyncset.done $0x0  }
0x35: {  	[sflag:s31] =	ssyncadd.s32 $0xFFFFEC00  }
0x36: {  	_ =	swait.ge [sflag:s31], $0x1400  }
0x37: {  	[sflag:s31] =	ssyncset.done $0x0  }
0x38: {  	[sflag:s31] =	ssyncadd.s32 $0xFFFFEC00  }
0x39: {  	_ =	swait.ge [sflag:s31], $0x1400  }
0x3a: {  	[sflag:s31] =	ssyncset.done $0x0  }
0x3b: {  	[sflag:s31] =	ssyncadd.s32 $0xFFFFEC00  }
0x3c: {  	_ =	swait.ge [sflag:s31], $0x1400  }
0x3d: {  	[sflag:s31] =	ssyncset.done $0x0  }
0x3e: {  	[sflag:s31] =	ssyncadd.s32 $0xFFFFEC00  }
0x3f: {  	_ =	swait.ge [sflag:s31], $0x1400  }
0x40: {  	[sflag:s31] =	ssyncset.done $0x0  }
0x41: {  	[sflag:s31] =	ssyncadd.s32 $0xFFFFEC00  }
0x42: {  	_ =	swait.ge [sflag:s31], $0x1400  }
0x43: {  	[sflag:s31] =	ssyncset.done $0x0  }
0x44: {  	[sflag:s31] =	ssyncadd.s32 $0xFFFFEC00  }
0x45: {  	_ =	swait.ge [sflag:s31], $0x1400  }
0x46: {  	[sflag:s31] =	ssyncset.done $0x0  }
0x47: {  	[sflag:s31] =	ssyncadd.s32 $0xFFFFEC00  }
0x48: {  	_ =	swait.ge [sflag:s31], $0x1400  }
0x49: {  	[sflag:s31] =	ssyncset.done $0x0  }
0x4a: {  	[sflag:s31] =	ssyncadd.s32 $0xFFFFEC00  }
0x4b: {  	_ =	swait.ge [sflag:s31], $0x1400  }
0x4c: {  	[sflag:s31] =	ssyncset.done $0x0  }
0x4d: {  	s6 =	simm.s32 $0x0;
	[sflag:s31] =	ssyncadd.s32 $0xFFFFEC00  }
0x4e: {  	v5 =	vld [tilespmem:s6+$0xCB20]  }
0x4f: {  	v6 =	vld [tilespmem:s6+$0xCB30]  }
0x50: {  	v7 =	vld [tilespmem:s6+$0xCB40]  }
0x51: {  	v8 =	vld [tilespmem:s6+$0xCB50]  }
0x52: {  	v9 =	vld [tilespmem:s6+$0xCB20]  }
0x53: {  	v10 =	vld [tilespmem:s6+$0xCB30]  }
0x54: {  	v11 =	vld [tilespmem:s6+$0xCB40]  }
0x55: {  	v12 =	vld [tilespmem:s6+$0xCB50]  }
0x56: {  	v13 =	vld [tilespmem:s6+$0xCB20]  }
0x57: {  	v14 =	vld [tilespmem:s6+$0xCB30]  }
0x58: {  	v15 =	vld [tilespmem:s6+$0xCB40]  }
0x59: {  	v16 =	vld [tilespmem:s6+$0xCB50]  }
0x5a: {  	v17 =	vld [tilespmem:s6+$0xCB60]  }
0x5b: {  	v18 =	vld [tilespmem:s6+$0xCB70]  }
0x5c: {  	v19 =	vld [tilespmem:s6+$0xCB80]  }
0x5d: {  	v20 =	vld [tilespmem:s6+$0xCB90]  }
0x5e: {  	v21 =	vld [tilespmem:s6+$0xCB60]  }
0x5f: {  	v22 =	vld [tilespmem:s6+$0xCB70]  }
0x60: {  	v23 =	vld [tilespmem:s6+$0xCB80]  }
0x61: {  	v24 =	vld [tilespmem:s6+$0xCB90]  }
0x62: {  	v25 =	vld [tilespmem:s6+$0xCB60]  }
0x63: {  	v26 =	vld [tilespmem:s6+$0xCB70]  }
0x64: {  	v27 =	vld [tilespmem:s6+$0xCB80]  }
0x65: {  	v4 =	vld [tilespmem:s6+$0xCB90]  }
0x66: {  	v3 =	vld [tilespmem:s6+$0xCB60]  }
0x67: {  	v2 =	vld [tilespmem:s6+$0xCB70]  }
0x68: {  	v1 =	vld [tilespmem:s6+$0xCB80]  }
0x69: {  	v0 =	vld [tilespmem:s6+$0xCB90]  }
0x6a: {  	v28 =	vld [tilespmem:s6+$0x320]  }
0x6b: {  	v29 =	vld [tilespmem:s6+$0x330]  }
0x6c: {  	v30 =	vld [tilespmem:s6+$0x340]  }
0x6d: {  	v31 =	vld [tilespmem:s6+$0x350]  }
0x6e: {  	v32 =	vld [tilespmem:s6+$0x3520]  }
0x6f: {  	v33 =	vld [tilespmem:s6+$0x3530];
	v28 =	vadd.f32 v5, v28  }
0x70: {  	v34 =	vld [tilespmem:s6+$0x3540];
	v29 =	vadd.f32 v6, v29  }
0x71: {  	v58 =	vld [tilespmem:s6+$0x3550];
	v30 =	vadd.f32 v7, v30;
	[tilespmem:s6+$0x320] =	vst v28  }
0x72: {  	v59 =	vld [tilespmem:s6+$0x6720];
	v31 =	vadd.f32 v8, v31;
	[tilespmem:s6+$0x330] =	vst v29  }
0x73: {  	v60 =	vld [tilespmem:s6+$0x6730];
	v5 =	vadd.f32 v5, v32;
	[tilespmem:s6+$0x340] =	vst v30  }
0x74: {  	v61 =	vld [tilespmem:s6+$0x6740];
	v6 =	vadd.f32 v6, v33;
	[tilespmem:s6+$0x350] =	vst v31  }
0x75: {  	v7 =	vadd.f32 v7, v34;
	[tilespmem:s6+$0x3520] =	vst v5;
	v5 =	vld [tilespmem:s6+$0x6750]  }
0x76: {  	v8 =	vadd.f32 v8, v58;
	[tilespmem:s6+$0x3530] =	vst v6;
	v6 =	vld [tilespmem:s6+$0x9920]  }
0x77: {  	v9 =	vadd.f32 v9, v59;
	[tilespmem:s6+$0x3540] =	vst v7;
	v7 =	vld [tilespmem:s6+$0x9930]  }
0x78: {  	v10 =	vadd.f32 v10, v60;
	[tilespmem:s6+$0x3550] =	vst v8;
	v8 =	vld [tilespmem:s6+$0x9940]  }
0x79: {  	v11 =	vadd.f32 v11, v61;
	[tilespmem:s6+$0x6720] =	vst v9;
	v9 =	vld [tilespmem:s6+$0x9950]  }
0x7a: {  	[tilespmem:s6+$0x6730] =	vst v10;
	v10 =	vld [tilespmem:s6+$0x360];
	v5 =	vadd.f32 v12, v5  }
0x7b: {  	[tilespmem:s6+$0x6740] =	vst v11;
	v11 =	vld [tilespmem:s6+$0x370];
	v6 =	vadd.f32 v13, v6  }
0x7c: {  	v7 =	vadd.f32 v14, v7;
	[tilespmem:s6+$0x6750] =	vst v5;
	v5 =	vld [tilespmem:s6+$0x380]  }
0x7d: {  	v8 =	vadd.f32 v15, v8;
	[tilespmem:s6+$0x9920] =	vst v6;
	v6 =	vld [tilespmem:s6+$0x390]  }
0x7e: {  	v9 =	vadd.f32 v16, v9;
	[tilespmem:s6+$0x9930] =	vst v7;
	v7 =	vld [tilespmem:s6+$0x3560]  }
0x7f: {  	v10 =	vadd.f32 v17, v10;
	[tilespmem:s6+$0x9940] =	vst v8;
	v8 =	vld [tilespmem:s6+$0x3570]  }
0x80: {  	v11 =	vadd.f32 v18, v11;
	[tilespmem:s6+$0x9950] =	vst v9;
	v9 =	vld [tilespmem:s6+$0x3580]  }
0x81: {  	[tilespmem:s6+$0x360] =	vst v10;
	v10 =	vld [tilespmem:s6+$0x3590];
	v5 =	vadd.f32 v19, v5  }
0x82: {  	[tilespmem:s6+$0x370] =	vst v11;
	v11 =	vld [tilespmem:s6+$0x6760];
	v6 =	vadd.f32 v20, v6  }
0x83: {  	v62 =	vld [tilespmem:s6+$0x6770];
	[tilespmem:s6+$0x380] =	vst v5;
	v5 =	vadd.f32 v21, v7  }
0x84: {  	v63 =	vld [tilespmem:s6+$0x6780];
	[tilespmem:s6+$0x390] =	vst v6;
	v6 =	vadd.f32 v22, v8  }
0x85: {  	v7 =	vadd.f32 v23, v9;
	[tilespmem:s6+$0x3560] =	vst v5;
	v5 =	vld [tilespmem:s6+$0x6790]  }
0x86: {  	v8 =	vadd.f32 v24, v10;
	[tilespmem:s6+$0x3570] =	vst v6;
	v6 =	vld [tilespmem:s6+$0x9960]  }
0x87: {  	v9 =	vadd.f32 v25, v11;
	[tilespmem:s6+$0x3580] =	vst v7;
	v7 =	vld [tilespmem:s6+$0x9970]  }
0x88: {  	v10 =	vadd.f32 v26, v62;
	[tilespmem:s6+$0x3590] =	vst v8;
	v8 =	vld [tilespmem:s6+$0x9980]  }
0x89: {  	s8 =	simm.s32 $0x0;
	s0 =	simm.s32 $0x200;
	v11 =	vadd.f32 v27, v63;
	[tilespmem:s6+$0x6760] =	vst v9;
	v9 =	vld [tilespmem:s6+$0x9990]  }
.LBB2_3:
0x8a: {  	s1 =	sshra.s32 s0, $0x2;
	[tilespmem:s6+$0x6770] =	vst v10;
	v4 =	vadd.f32 v4, v5  }
0x8b: {  	v5 =	vld [tilespmem:s1+$0xCB20];
	[tilespmem:s6+$0x6780] =	vst v11;
	v3 =	vadd.f32 v3, v6  }
0x8c: {  	v6 =	vld [tilespmem:s1+$0xCB30];
	[tilespmem:s6+$0x6790] =	vst v4;
	v2 =	vadd.f32 v2, v7  }
0x8d: {  	v7 =	vld [tilespmem:s1+$0xCB40];
	[tilespmem:s6+$0x9960] =	vst v3;
	v1 =	vadd.f32 v1, v8  }
0x8e: {  	v8 =	vld [tilespmem:s1+$0xCB50];
	[tilespmem:s6+$0x9970] =	vst v2;
	v0 =	vadd.f32 v0, v9  }
0x8f: {  	v9 =	vld [tilespmem:s1+$0xCB20];
	[tilespmem:s6+$0x9980] =	vst v1  }
0x90: {  	v10 =	vld [tilespmem:s1+$0xCB30];
	[tilespmem:s6+$0x9990] =	vst v0;
	s6 =	smov.u32 s1  }
0x91: {  	v11 =	vld [tilespmem:s6+$0xCB40]  }
0x92: {  	v12 =	vld [tilespmem:s6+$0xCB50]  }
0x93: {  	v13 =	vld [tilespmem:s6+$0xCB20]  }
0x94: {  	v14 =	vld [tilespmem:s6+$0xCB30]  }
0x95: {  	v15 =	vld [tilespmem:s6+$0xCB40]  }
0x96: {  	v16 =	vld [tilespmem:s6+$0xCB50]  }
0x97: {  	v17 =	vld [tilespmem:s6+$0xCB60]  }
0x98: {  	v18 =	vld [tilespmem:s6+$0xCB70]  }
0x99: {  	v19 =	vld [tilespmem:s6+$0xCB80]  }
0x9a: {  	v20 =	vld [tilespmem:s6+$0xCB90]  }
0x9b: {  	v21 =	vld [tilespmem:s6+$0xCB60]  }
0x9c: {  	v22 =	vld [tilespmem:s6+$0xCB70]  }
0x9d: {  	v23 =	vld [tilespmem:s6+$0xCB80]  }
0x9e: {  	v24 =	vld [tilespmem:s6+$0xCB90]  }
0x9f: {  	v25 =	vld [tilespmem:s6+$0xCB60]  }
0xa0: {  	v26 =	vld [tilespmem:s6+$0xCB70]  }
0xa1: {  	v27 =	vld [tilespmem:s6+$0xCB80]  }
0xa2: {  	v4 =	vld [tilespmem:s6+$0xCB90]  }
0xa3: {  	v3 =	vld [tilespmem:s6+$0xCB60]  }
0xa4: {  	v2 =	vld [tilespmem:s6+$0xCB70]  }
0xa5: {  	v1 =	vld [tilespmem:s6+$0xCB80]  }
0xa6: {  	v0 =	vld [tilespmem:s6+$0xCB90]  }
0xa7: {  	v28 =	vld [tilespmem:s6+$0x320]  }
0xa8: {  	v29 =	vld [tilespmem:s6+$0x330]  }
0xa9: {  	v30 =	vld [tilespmem:s6+$0x340]  }
0xaa: {  	v31 =	vld [tilespmem:s6+$0x350]  }
0xab: {  	v32 =	vld [tilespmem:s6+$0x3520]  }
0xac: {  	v28 =	vadd.f32 v5, v28;
	v33 =	vld [tilespmem:s6+$0x3530]  }
0xad: {  	v29 =	vadd.f32 v6, v29;
	v34 =	vld [tilespmem:s6+$0x3540]  }
0xae: {  	[tilespmem:s6+$0x320] =	vst v28;
	v28 =	vadd.f32 v7, v30;
	v30 =	vld [tilespmem:s6+$0x3550]  }
0xaf: {  	[tilespmem:s6+$0x330] =	vst v29;
	v29 =	vadd.f32 v8, v31;
	v31 =	vld [tilespmem:s6+$0x6720]  }
0xb0: {  	[tilespmem:s6+$0x340] =	vst v28;
	v5 =	vadd.f32 v5, v32;
	v28 =	vld [tilespmem:s6+$0x6730]  }
0xb1: {  	[tilespmem:s6+$0x350] =	vst v29;
	v6 =	vadd.f32 v6, v33;
	v29 =	vld [tilespmem:s6+$0x6740]  }
0xb2: {  	[tilespmem:s6+$0x3520] =	vst v5;
	v5 =	vadd.f32 v7, v34;
	v7 =	vld [tilespmem:s6+$0x6750]  }
0xb3: {  	[tilespmem:s6+$0x3530] =	vst v6;
	v6 =	vadd.f32 v8, v30;
	v8 =	vld [tilespmem:s6+$0x9920]  }
0xb4: {  	[tilespmem:s6+$0x3540] =	vst v5;
	v5 =	vadd.f32 v9, v31;
	v9 =	vld [tilespmem:s6+$0x9930]  }
0xb5: {  	[tilespmem:s6+$0x3550] =	vst v6;
	v6 =	vadd.f32 v10, v28;
	v10 =	vld [tilespmem:s6+$0x9940]  }
0xb6: {  	[tilespmem:s6+$0x6720] =	vst v5;
	v5 =	vadd.f32 v11, v29;
	v11 =	vld [tilespmem:s6+$0x9950]  }
0xb7: {  	[tilespmem:s6+$0x6730] =	vst v6;
	v6 =	vadd.f32 v12, v7;
	v7 =	vld [tilespmem:s6+$0x360]  }
0xb8: {  	[tilespmem:s6+$0x6740] =	vst v5;
	v5 =	vadd.f32 v13, v8;
	v8 =	vld [tilespmem:s6+$0x370]  }
0xb9: {  	[tilespmem:s6+$0x6750] =	vst v6;
	v6 =	vadd.f32 v14, v9;
	v9 =	vld [tilespmem:s6+$0x380]  }
0xba: {  	[tilespmem:s6+$0x9920] =	vst v5;
	v5 =	vadd.f32 v15, v10;
	v10 =	vld [tilespmem:s6+$0x390]  }
0xbb: {  	[tilespmem:s6+$0x9930] =	vst v6;
	v6 =	vadd.f32 v16, v11;
	v11 =	vld [tilespmem:s6+$0x3560]  }
0xbc: {  	[tilespmem:s6+$0x9940] =	vst v5;
	v5 =	vadd.f32 v17, v7;
	v7 =	vld [tilespmem:s6+$0x3570]  }
0xbd: {  	[tilespmem:s6+$0x9950] =	vst v6;
	v6 =	vadd.f32 v18, v8;
	v8 =	vld [tilespmem:s6+$0x3580]  }
0xbe: {  	[tilespmem:s6+$0x360] =	vst v5;
	v5 =	vadd.f32 v19, v9;
	v9 =	vld [tilespmem:s6+$0x3590]  }
0xbf: {  	[tilespmem:s6+$0x370] =	vst v6;
	v6 =	vadd.f32 v20, v10;
	v10 =	vld [tilespmem:s6+$0x6760]  }
0xc0: {  	s8 =	sadd.s32 $0x2, s8;
	[tilespmem:s6+$0x380] =	vst v5;
	v5 =	vadd.f32 v21, v11;
	v11 =	vld [tilespmem:s6+$0x6770]  }
0xc1: {  	p0 =	slt.u32 s8, $0xC6;
	[tilespmem:s6+$0x390] =	vst v6;
	v6 =	vadd.f32 v22, v7;
	v12 =	vld [tilespmem:s6+$0x6780]  }
.Ltmp0:
0xc2: {  	[tilespmem:s6+$0x3560] =	vst v5;
	v7 =	vadd.f32 v23, v8;
	v5 =	vld [tilespmem:s6+$0x6790];
	(pc) =	sbr.rel @p0 .LBB2_3-.Ltmp0, $4  }
0xc3: {  	[tilespmem:s6+$0x3570] =	vst v6;
	v8 =	vadd.f32 v24, v9;
	v6 =	vld [tilespmem:s6+$0x9960]  }
0xc4: {  	[tilespmem:s6+$0x3580] =	vst v7;
	v9 =	vadd.f32 v25, v10;
	v7 =	vld [tilespmem:s6+$0x9970]  }
0xc5: {  	[tilespmem:s6+$0x3590] =	vst v8;
	v10 =	vadd.f32 v26, v11;
	v8 =	vld [tilespmem:s6+$0x9980]  }
0xc6: {  	s0 =	sadd.s32 $0x200, s0;
	[tilespmem:s6+$0x6760] =	vst v9;
	v11 =	vadd.f32 v27, v12;
	v9 =	vld [tilespmem:s6+$0x9990]  }
0xc7: {  	[tilespmem:s6+$0x6770] =	vst v10;
	v4 =	vadd.f32 v4, v5  }
0xc8: {  	[tilespmem:s6+$0x6780] =	vst v11;
	v3 =	vadd.f32 v3, v6  }
0xc9: {  	[tilespmem:s6+$0x6790] =	vst v4;
	v2 =	vadd.f32 v2, v7  }
0xca: {  	[tilespmem:s6+$0x9960] =	vst v3;
	v1 =	vadd.f32 v1, v8  }
0xcb: {  	s2 =	sadd.s32 $0x1, s2;
	[tilespmem:s6+$0x9970] =	vst v2;
	v0 =	vadd.f32 v0, v9  }
0xcc: {  	s0 =	sshll.u32 s9, $0x3;
	s1 =	rddreg [dreg:$0x1];
	p0 =	sne.s32 s2, $0x20;
	[tilespmem:s6+$0x9980] =	vst v1  }
.Ltmp1:
0xcd: {  	s0 =	sadd.s32 s1, s0;
	[tilespmem:s6+$0x9990] =	vst v0;
	(pc) =	sbr.rel @p0 .LBB2_2-.Ltmp1, $4  }
0xce: {  	[hbm4b:s0+s3] =	stream.linear.scatter [tilespmem:s12], [sflag:$0x2], $0xC800, $0x38;
	[tilespmem:$0xFD20] =	vst v63  }
0xcf: {  	_ =	swait.ge [sflag:s10], $0xC800  }
0xd0: {  	[sflag:s10] =	ssyncset.done $0x0  }
0xd1: {  	[sflag:s10] =	ssyncadd.s32 $0xFFFF3800  }
0xd2: {  	s1 =	rddreg [dreg:$0x5]  }
0xd3: {  	s0 =	rddreg [dreg:$0x4];
	s1 =	sadd.s32 $0x1, s1  }
0xd4: {  	p0 =	sne.s32 s1, s0  }
.Ltmp2:
0xd5: {  	_ = 	snop;
	(pc) =	sbr.rel @p0 .LBB2_1-.Ltmp2, $1  }
0xd6: {  	_ =	sdelay $0x3  }
0xd7: {  	_ =	sfence.sel $0x180000  }
0xd8: {  	[bflag:$0x0] =	sbarrier.arrive $0xFFFF  }
0xd9: {  	_ =	strace $0x90000047  }
0xda: {  	s0 =	stileid.u32;
	[bflag:$0x2] =	sbarrier.arrive $0xFFFF  }
0xdb: {  	p0 =	sne.s32 s0, $0x0;
	s0 =	rddreg [dreg:$0x2]  }
0xdc: {  	s0 =	sadd.s32 @!p0 $0x100000, s0  }
0xdd: {  	[sflag:s0] =	ssyncadd.tile.s32 @!p0 $0x1;
	_ =	shalt  }
.Lfunc_end2:
_tile_overlayer_lowered:
.L_overlay_start_2:
0xde: {  	(tag) =	ssettag $0x2  }
0xdf: {  	s0 =	rddreg [dreg:$0x0];
	s2 =	stileid.u32  }
0xe0: {  	s1 =	rddreg [dreg:$0x1];
	p0 =	sne.s32 s2, $0x0  }
0xe1: {  	s3 =	rddreg [dreg:$0x2];
	[bflag:$0x3] =	sbarrier.arrive $0xFFFF;
	s2 =	simm.s32 @!p0 $0x1C02  }
0xe2: {  	[timem:s3], [sflag:s2] =	dma.local @!p0 [hbm:s0], s1  }
0xe3: {  	s0 =	simm.s32 @!p0 $0x2  }
0xe4: {  	_ =	swait.ge @!p0 [sflag:s0], s1  }
0xe5: {  	s1 =	ssub.s32 @!p0 $0x0, s1;
	[sflag:s0] =	ssyncset.done @!p0 $0x0  }
0xe6: {  	[sflag:s0] =	ssyncadd.s32 @!p0 s1  }
0xe7: {  	[bflag:$0x3] =	sbarrier.arrive $0xFFFF  }
0xe8: {  	_ =	shalt  }

// kernel: sparse-core-data-format-call.cloned.1.call-start
scs
called_computation_lowered:
.L_overlay_start_0:
0x0: {  	s2 =	sld [smem:$0x3FD9]  }
0x1: {  	s3 =	sld [smem:$0x3FFE];
	_ =	sdelay $0x1  }
0x2: {  	s1 =	srdreg.scid  }
0x3: {  	s0 =	sand.u32 $0x1, s1  }
0x4: {  	s18 =	sshll.u32 s0, $0xA;
	s2 =	sadd.s32 s3, s2  }
0x5: {  	s2 =	sadd.s32 s2, s18  }
0x6: {  	[smem:$0x3FC5] =	sst s2  }
0x7: {  	_ = 	snop  }
0x8: {  	s2 =	sld [smem:$0x3FD0];
	(tm) =	ssettm $0x1  }
0x9: {  	s19 =	sld [smem:$0x3FFB];
	_ =	sdelay $0x3  }
0xa: {  	_ =	strace s19  }
0xb: {  	s3 =	sld [smem:$0x3FFC];
	_ =	sdelay $0x3  }
0xc: {  	_ =	strace s3  }
0xd: {  	s3 =	sld [smem:$0x3FFD];
	_ =	sdelay $0x3  }
0xe: {  	_ =	strace s3  }
0xf: {  	_ =	strace $0x8FFFFFFF  }
0x10: {  	s20 =	sld [smem:$0x3FDB];
	_ =	sdelay $0x1  }
0x11: {  	s4 =	simm.s32 $_scs_section_size  }
0x12: {  	s5 =	simm.s32 $_size__tile_overlayer_lowered;
	s6 =	simm.s32 $_tile_overlayer_lowered  }
0x13: {  	s23 =	simm.s32 $0x1BFF;
	s22 =	sshll.u32 s6, $0x1;
	s3 =	sadd.s32 s4, s20  }
0x14: {  	s7 =	simm.s32 $0x0;
	s21 =	sshll.u32 s5, $0x1;
	s5 =	sadd.s32 s22, s3  }
0x15: {  	[timem:s7], [sflag:s23] =	dma.local [hbm:s5], s21  }
0x16: {  	_ =	swait.ge [sflag:s23], s21  }
0x17: {  	s4 =	ssub.s32 $0x0, s21;
	[sflag:s23] =	ssyncset.done $0x0  }
0x18: {  	[sflag:s23] =	ssyncadd.s32 s4;
	_ =	sdelay $0x1  }
0x19: {  	s24 =	simm.s32 $0x1B8B  }
0x1a: {  	_ =	swait.ge [sflag:s24], $0x1  }
0x1b: {  	[sflag:s24] =	ssyncset.done $0x0  }
0x1c: {  	s26 =	simm.s32 $0x1B8E;
	s25 =	sld [smem:$0x3FFE];
	[sflag:s24] =	ssyncadd.s32 $0xFFFFFFFF  }
0x1d: {  	s27 =	simm.s32 $execute0_lowered;
	[smem:$0x3FD2] =	sst s26  }
0x1e: {  	s5 =	sshll.u32 s27, $0x1;
	_ =	strace $0x80000049;
	[dreg:$0x1] =	wrdreg $0xFFFFFFFF  }
0x1f: {  	s28 =	simm.s32 $_size_execute0_lowered;
	s3 =	sadd.s32 s3, s5;
	[dreg:$0x0] =	wrdreg $0x0  }
0x20: {  	s5 =	sshll.u32 s28, $0x1;
	[dreg:$0x2] =	wrdreg s3  }
0x21: {  	[dreg:$0x3] =	wrdreg s5  }
0x22: {  	[dreg:$0x4] =	wrdreg $0xC0  }
0x23: {  	_ =	task [dreg:s7], $0x5FFFF  }
0x24: {  	[dreg:$0x1] =	wrdreg $0xFFFFFFFF  }
0x25: {  	[dreg:$0x0] =	wrdreg $0x60  }
0x26: {  	[dreg:$0x2] =	wrdreg s25  }
0x27: {  	[dreg:$0x3] =	wrdreg s2  }
0x28: {  	[dreg:$0x4] =	wrdreg $0x9  }
0x29: {  	_ =	task.clear_ibuf [dreg:s7], $0x5FFFF;
	_ =	strace $0x90000049  }
0x2a: {  	s29 =	simm.s32 $0x9;
	_ =	strace $0x8000004B  }
0x2b: {  	_ =	swait.ge [sflag:s29], $0x1  }
0x2c: {  	[sflag:s29] =	ssyncadd.s32 $0xFFFFFFFF  }
0x2d: {  	_ =	strace $0x9000004B  }
0x2e: {  	_ =	sfence  }
0x2f: {  	s30 =	sld [smem:$0x0];
	_ =	sdelay $0x2  }
0x30: {  	s31 =	sshll.u32 s1, $0xD;
	s1 =	sshrl.u32 s1, $0x2  }
0x31: {  	s3 =	sand.u32 $0x4000, s31;
	s1 =	sadd.s32 s1, s30  }
0x32: {  	s0 =	sor.u32 s3, s0;
	s1 =	sshll.u32 s1, $0x11  }
0x33: {  	s0 =	sor.u32 s1, s0  }
0x34: {  	s0 =	sadd.s32 $0x8F2B, s0  }
0x35: {  	[sflag:s0] =	ssyncadd.remote.s32 $0x1  }
0x36: {  	_ =	sfence.sel $0xFFFF  }
0x37: {  	[dreg:$0x0] =	wrdreg $0xFFFFFFFF;
	(pc) =	sbr.abs _section_cstart, $3  }
0x38: {  	[dreg:$0x1] =	wrdreg $0xFFFFFFFF  }
0x39: {  	_ =	task.clear_ibuf [dreg:s7], $0x2FFFF;
	_ =	strace $0x9FFFFFFF  }
0x3a: {  	(tm) =	ssettm $0x7FFFFFFF  }
0x3b: {  	_ =	shalt  }
tec
execute0_lowered:
.L_overlay_start_1:
0x0: {  	(tag) =	ssettag $0x1  }
0x1: {  	s0 =	srdreg.scid  }
0x2: {  	s1 =	sshll.u32 s0, $0x4  }
0x3: {  	s0 =	stileid.u32;
	s1 =	sand.u32 $0x10, s1  }
0x4: {  	s1 =	sor.u32 s0, s1  }
0x5: {  	s6 =	rddreg [dreg:$0x0];
	s4 =	simm.s32 $0x1;
	s2 =	sshll.u32 s1, $0x7  }
0x6: {  	s7 =	simm.s32 $0x2;
	s12 =	simm.s32 $0x0;
	s1 =	ssub.s32 $0x1000, s2  }
0x7: {  	s8 =	simm.s32 $0x8000;
	s13 =	simm.s32 $0x0;
	s3 =	sand.u32 $0xF80, s1  }
0x8: {  	s9 =	simm.s32 $0x0;
	s5 =	sshrl.u32 s1, $0xC;
	p0 =	sne.s32 s3, $0x0  }
.Ltmp0:
0x9: {  	s1 =	rddreg [dreg:$0x2];
	s4 =	simm.s32 @!p0 $0x0;
	(pc) =	sbr.rel .LBB1_1-.Ltmp0, $4  }
0xa: {  	s11 =	simm.s32 $0x0;
	s3 =	rddreg [dreg:$0x1];
	s5 =	sadd.s32 s4, s5  }
0xb: {  	_ =	strace $0x8000004A;
	s4 =	simm.s32 $0x1;
	s5 =	smul.u32 $0xC8, s5  }
0xc: {  	s6 =	sadd.s32 $0xC00, s6;
	s10 =	smov.u32 s2;
	[sflag:s4] =	ssyncpa.u1 $0x0  }
0xd: {  	p0 =	por $0x0, $0x0;
	[sflag:s7] =	ssyncpa.u1 $0x0;
	s7 =	sor.u32 $0x1, s5  }
.LBB1_4:
0xe: {  	s16 =	sshll.u32 s13, $0x3;
	s17 =	sand.u32 $0x78, s13  }
0xf: {  	s30 =	sand.u32 $0x7E00, s13;
	s12 =	sshll.u32 s12, $0xF;
	s16 =	sand.u32 $0xC00, s16  }
0x10: {  	[tilespmem:s15+$0x810 ss:$0x81] =	vst.msk $0xffff, v2;
	s31 =	sand.u32 $0x7, s13;
	s16 =	sor.u32 s17, s16;
	s17 =	sadd.s32 s3, s30  }
0x11: {  	[tilespmem:s15+$0x1020 ss:$0x81] =	vst.msk $0xffff, v0;
	s13 =	sshll.u32 s31, $0x12;
	s12 =	sadd.s32 s12, s17;
	s16 =	sshrl.u32 s16, $0x3  }
0x12: {  	[tilespmem:s15+$0x0 ss:$0x81] =	vst.msk $0xffff, v1;
	s13 =	sor.u32 $0x400, s13;
	s12 =	sadd.s32 s16, s12  }
0x13: {  	[hbm4b:s12+s13] =	stream.strided.scatter [tilespmem:s14], [sflag:$0x2], $0x2000, s8, s13, $0x20;
	[tilespmem:$0x8080] =	vst v63  }
.LBB1_5:
0x14: {  	s14 =	sadd.s32 $0x1, s9  }
0x15: {  	s12 =	sadd.s32 $0x1000, s10;
	s16 =	smov.u32 s10;
	p2 =	sgt.s32 s14, $0xC7  }
0x16: {  	s16 =	smov.u32 @p2 s12  }
0x17: {  	s14 =	simm.s32 @p2 $0x0;
	p2 =	sgt.s32 s16, $0xFFF  }
0x18: {  	s16 =	smov.u32 @p2 s2;
	p2 =	sne.s32 s11, s7  }
.Ltmp1:
0x19: {  	p1 =	slt.u32 s11, $0x2;
	(pc) =	sbr.rel @!p2 .LBB1_6-.Ltmp1, $4  }
0x1a: {  	s15 =	simm.s32 @!p1 $0x2  }
0x1b: {  	s13 =	smov.u32 s10;
	p0 =	por !p0, !p0;
	_ =	swait.ge @!p1 [sflag:s15], $0x2000  }
0x1c: {  	s12 =	smov.u32 s9;
	[sflag:s15] =	ssyncset.done @!p1 $0x0;
	s9 =	smov.u32 s14  }
0x1d: {  	s11 =	sadd.s32 $0x1, s11;
	[sflag:s15] =	ssyncadd.s32 @!p1 $0xFFFFE000;
	s10 =	smov.u32 s16  }
.LBB1_1:
0x1e: {  	p1 =	sge.u32 s11, s5  }
0x1f: {  	s14 =	sand.u32 @!p1 $0x1FFFFFF, s9  }
0x20: {  	s15 =	smulhi.u32 @!p1 $0x147AE15, s14;
	_ =	sdelay $0x1  }
0x21: {  	s15 =	smul.u32 @!p1 $0xC8, s15  }
0x22: {  	s16 =	sxor.u32 @!p1 $0xFFFFFFFF, s11;
	s17 =	smul.u32 @!p1 $0xC80, s10  }
0x23: {  	s31 =	sadd.s32 $0xFFFFFFFF, s11;
	s16 =	sshll.u32 @!p1 s16, $0xD;
	s14 =	ssub.s32 @!p1 s14, s15  }
0x24: {  	s15 =	sand.u32 @!p1 $0x2000, s16;
	s16 =	sadd.s32 @!p1 s6, s17;
	s14 =	sshll.u32 @!p1 s14, $0x4  }
0x25: {  	s17 =	simm.s32 @!p1 $0x6400;
	s14 =	sadd.s32 @!p1 s14, s16;
	s16 =	simm.s32 @!p1 $0x40  }
0x26: {  	[tilespmem:s15], [sflag:$0x1] =	stream.strided.gather @!p1 [hbm4b:s14+s16], $0x2000, s17, s16, $0x38;
	[tilespmem:$0x8080] =	vst v63  }
0x27: {  	p1 =	sge.u32 s31, s5  }
.Ltmp2:
0x28: {  	_ = 	snop;
	(pc) =	sbr.rel @p1 .LBB1_5-.Ltmp2, $1  }
0x29: {  	_ =	sdelay $0x3  }
0x2a: {  	s14 =	simm.s32 $0x1  }
0x2b: {  	_ =	swait.ge [sflag:s4], $0x2000;
	s14 =	simm.s32 @!p0 $0x0  }
0x2c: {  	[sflag:s4] =	ssyncset.done $0x0;
	s15 =	sshll.u32 s14, $0xD  }
0x2d: {  	[sflag:s4] =	ssyncadd.s32 $0xFFFFE000;
	s18 =	sor.u32 $0x20, s15  }
0x2e: {  	s14 =	smul.u32 $0x8100, s14;
	v3 =	vld [tilespmem:s18+$0x10]  }
0x2f: {  	s30 =	sand.u32 $0x1, s11;
	v2 =	vld [tilespmem:s18+$0xFFFFFFF0]  }
0x30: {  	s15 =	smul.u32 $0x8100, s30;
	s14 =	sshrl.u32 s14, $0x2;
	v0 =	vld [tilespmem:s18+$0x0]  }
0x31: {  	v1 =	vld [tilespmem:s18+$0xFFFFFFE0];
	s16 =	sor.u32 $0x4000, s14  }
0x32: {  	s31 =	sshrl.u32 s15, $0x2;
	s15 =	sadd.s32 $0x0, s16  }
0x33: {  	s17 =	simm.s32 $0x4;
	s18 =	sadd.s32 $0x40, s18;
	s14 =	sor.u32 $0x4000, s31;
	[tilespmem:s15+$0x1830 ss:$0x81] =	vst.msk $0xffff, v3  }
.LBB1_3:
0x34: {  	v3 =	vld [tilespmem:s18+$0x10];
	p1 =	sne.s32 s17, $0x1FC;
	[tilespmem:s15+$0x810 ss:$0x81] =	vst.msk $0xffff, v2;
	s19 =	smov.u32 s17;
	s17 =	sadd.s32 $0x4, s17  }
.Ltmp3:
0x35: {  	v2 =	vld [tilespmem:s18+$0xFFFFFFF0];
	[tilespmem:s15+$0x1020 ss:$0x81] =	vst.msk $0xffff, v0;
	(pc) =	sbr.rel @p1 .LBB1_3-.Ltmp3, $4  }
0x36: {  	v0 =	vld [tilespmem:s18+$0x0];
	[tilespmem:s15+$0x0 ss:$0x81] =	vst.msk $0xffff, v1  }
0x37: {  	s15 =	sshra.s32 s19, $0x2;
	v1 =	vld [tilespmem:s18+$0xFFFFFFE0]  }
0x38: {  	s15 =	sadd.s32 s15, s16  }
0x39: {  	s18 =	sadd.s32 $0x40, s18;
	[tilespmem:s15+$0x1830 ss:$0x81] =	vst.msk $0xffff, v3  }
.Ltmp4:
0x3a: {  	_ = 	snop;
	(pc) =	sbr.rel .LBB1_4-.Ltmp4, $1  }
0x3b: {  	_ =	sdelay $0x3  }
.LBB1_6:
0x3c: {  	_ =	sfence.sel $0x180000  }
0x3d: {  	s2 =	simm.s32 $0x1;
	[bflag:$0x0] =	sbarrier.arrive $0xFFFF  }
0x3e: {  	s31 =	simm.s32 $0x2;
	[sflag:s2] =	ssyncpa.u1 $0x1  }
0x3f: {  	[sflag:s31] =	ssyncpa.u1 $0x1  }
0x40: {  	p0 =	sne.s32 s0, $0x0;
	_ =	strace $0x9000004A  }
0x41: {  	s0 =	sadd.s32 @!p0 $0x100000, s1;
	[bflag:$0x2] =	sbarrier.arrive $0xFFFF  }
0x42: {  	[sflag:s0] =	ssyncadd.tile.s32 @!p0 $0x1;
	_ =	shalt  }
.Lfunc_end1:
_tile_overlayer_lowered:
.L_overlay_start_2:
0x43: {  	(tag) =	ssettag $0x2  }
0x44: {  	s0 =	rddreg [dreg:$0x0];
	s2 =	stileid.u32  }
0x45: {  	s1 =	rddreg [dreg:$0x1];
	p0 =	sne.s32 s2, $0x0  }
0x46: {  	s3 =	rddreg [dreg:$0x2];
	[bflag:$0x3] =	sbarrier.arrive $0xFFFF;
	s2 =	simm.s32 @!p0 $0x1C01  }
0x47: {  	[timem:s3], [sflag:s2] =	dma.local @!p0 [hbm:s0], s1  }
0x48: {  	s0 =	simm.s32 @!p0 $0x1  }
0x49: {  	_ =	swait.ge @!p0 [sflag:s0], s1  }
0x4a: {  	s1 =	ssub.s32 @!p0 $0x0, s1;
	[sflag:s0] =	ssyncset.done @!p0 $0x0  }
0x4b: {  	[sflag:s0] =	ssyncadd.s32 @!p0 s1  }
0x4c: {  	[bflag:$0x3] =	sbarrier.arrive $0xFFFF  }
0x4d: {  	_ =	shalt  }

</sc_bundles>
